<compile_context>
chip_gen: v7x
topology: tpu7x:2x2x1
jax: 0.10.2.dev20260603
libtpu: 0.0.44.dev20260713+nightly
codegen_flags: <defaults>
</compile_context>

<pallas_src>
import functools
import math

import jax
import jax.numpy as jnp
from jax import lax
from jax.experimental import pallas as pl
from jax.experimental.pallas import tpu as pltpu
from jax.experimental.pallas import tpu_sc as plsc

_NC = 2
_NS = 16
_NW = _NC * _NS


def _sc_gather(node_table, hyper_table, uniq, hids, col):
    HK = col.shape[0]
    H = hids.shape[0]
    F = node_table.shape[1]
    RPT = HK // _NW
    CH = 128
    NCH = RPT // CH
    RG = 2
    NRG = NCH // RG
    HPT = H // _NW
    NB = 3

    mesh = plsc.VectorSubcoreMesh(core_axis_name="c", subcore_axis_name="s")

    @functools.partial(
        pl.kernel,
        mesh=mesh,
        out_type=[
            jax.ShapeDtypeStruct((HK, F), jnp.float32),
            jax.ShapeDtypeStruct((H, F), jnp.float32),
        ],
        scratch_types=(
            [pltpu.VMEM((RPT,), jnp.int32), pltpu.VMEM((RPT,), jnp.int32)]
            + [pltpu.VMEM((RG * CH, F), jnp.float32) for _ in range(NB)]
            + [pltpu.VMEM((HPT,), jnp.int32), pltpu.VMEM((HPT, F), jnp.float32)]
            + [pltpu.SemaphoreType.DMA for _ in range(NCH + 2 * NB + 1)]
        ),
    )
    def sck(node_hbm, hyper_hbm, uniq_hbm, hid_hbm, col_hbm, e_out, h_out,
            col_v, nid_v, *rest):
        rows_v = rest[0:NB]
        hidx_v, hrows_v = rest[NB], rest[NB + 1]
        si = rest[NB + 2:NB + 2 + NCH]
        sr = rest[NB + 2 + NCH:NB + 2 + NCH + NB]
        sw = rest[NB + 2 + NCH + NB:NB + 2 + NCH + 2 * NB]
        hsem = rest[NB + 2 + NCH + 2 * NB]
        wid = lax.axis_index("s") * _NC + lax.axis_index("c")
        base = wid * RPT
        pltpu.sync_copy(col_hbm.at[pl.ds(base, RPT)], col_v)
        hbase = wid * HPT
        pltpu.sync_copy(hid_hbm.at[pl.ds(hbase, HPT)], hidx_v)
        hcopy = pltpu.async_copy(hyper_hbm.at[hidx_v], hrows_v, hsem)

        idx_h = [
            pltpu.async_copy(
                uniq_hbm.at[col_v.at[pl.ds(c * CH, CH)]],
                nid_v.at[pl.ds(c * CH, CH)], si[c])
            for c in range(NCH)
        ]
        row_h = {}
        wb_h = {}
        for g in range(NRG):
            p = g % NB
            for c in range(g * RG, (g + 1) * RG):
                idx_h[c].wait()
            if g >= NB:
                wb_h[g - NB].wait()
            row_h[g] = pltpu.async_copy(
                node_hbm.at[nid_v.at[pl.ds(g * RG * CH, RG * CH)]],
                rows_v[p], sr[p])
            if g >= 2:
                row_h[g - 2].wait()
                q = (g - 2) % NB
                wb_h[g - 2] = pltpu.async_copy(
                    rows_v[q],
                    e_out.at[pl.ds(base + (g - 2) * RG * CH, RG * CH)], sw[q])
        for g in range(max(NRG - 2, 0), NRG):
            row_h[g].wait()
            q = g % NB
            wb_h[g] = pltpu.async_copy(
                rows_v[q], e_out.at[pl.ds(base + g * RG * CH, RG * CH)], sw[q])
        for g in range(max(NRG - NB, 0), NRG):
            wb_h[g].wait()
        hcopy.wait()
        pltpu.sync_copy(hrows_v, h_out.at[pl.ds(hbase, HPT)])

    return sck(node_table, hyper_table, uniq, hids, col)


def _tc_body(K, scale, e_ref, h_ref, wq_ref, colt_ref, o_ref):
    wq = wq_ref[...]
    q = jnp.dot(h_ref[...], wq, preferred_element_type=jnp.float32)
    kg = jnp.dot(e_ref[...], wq, preferred_element_type=jnp.float32)
    BH = q.shape[0]
    F = q.shape[1]
    kg3 = kg.reshape(BH, K, F)
    s = jnp.sum(kg3 * q[:, None, :], axis=-1) * scale
    sT = s.T
    colT = colt_ref[...]
    eqT = colT[:, None, :] == colT[None, :, :]
    kk = lax.broadcasted_iota(jnp.int32, (K, K, 1), 0)
    jj = lax.broadcasted_iota(jnp.int32, (K, K, 1), 1)
    isdup = jnp.any(eqT & (jj < kk), axis=1)
    valid = ~isdup
    m = jnp.max(jnp.where(valid, sT, -1e30), axis=0, keepdims=True)
    w = jnp.where(valid, jnp.exp(sT - m), 0.0)
    attn = (w / jnp.sum(w, axis=0, keepdims=True)).T
    o_ref[...] = jnp.sum(kg3 * attn[:, :, None], axis=1).T


def _tc_fused(e_rows, h_rows, Wq, colT, interpret=False):
    H, F = h_rows.shape
    K = colT.shape[0]
    BH = 256
    body = functools.partial(_tc_body, K, 1.0 / math.sqrt(Wq.shape[1]))
    return pl.pallas_call(
        body,
        grid=(H // BH,),
        in_specs=[
            pl.BlockSpec((BH * K, F), lambda i: (i, 0)),
            pl.BlockSpec((BH, F), lambda i: (i, 0)),
            pl.BlockSpec((F, Wq.shape[1]), lambda i: (0, 0)),
            pl.BlockSpec((K, BH), lambda i: (0, i)),
        ],
        out_specs=pl.BlockSpec((Wq.shape[1], BH), lambda i: (0, i)),
        out_shape=jax.ShapeDtypeStruct((Wq.shape[1], H), jnp.float32),
        interpret=interpret,
    )(e_rows, h_rows, Wq, colT)


def kernel(node_table, hyper_table, Wq, Wk, Wv, unique_nodes, hyperedge_ids,
           row_idx, col_idx):
    H = hyperedge_ids.shape[0]
    HK = col_idx.shape[0]
    K = HK // H
    col = col_idx.astype(jnp.int32)
    e_rows, h_rows = _sc_gather(node_table, hyper_table,
                                unique_nodes.astype(jnp.int32),
                                hyperedge_ids.astype(jnp.int32), col)
    return _tc_fused(e_rows, h_rows, Wq, col.reshape(H, K).T)

# --- scband reference (transcript-rebuilt; emitter-appended) ---
"""Pipeline reference for scband-node-att-aggregator-42442866819641 (READ-ONLY COPY).

The authoritative reference and input builder live on the scoring server;
editing this copy changes nothing except your own understanding.
"""

import jax, jax.numpy as jnp
import numpy as np
import math

N_NODES = 50000
N_HYPER = 10000
IN_F = 128
OUT_F = 128
K_PER = 32
H_SEL = 1024

def setup_inputs() -> dict:
    rng = np.random.default_rng(0)
    node_table = (rng.standard_normal((N_NODES, IN_F)) * 0.05).astype(np.float32)
    hyper_table = (rng.standard_normal((N_HYPER, IN_F)) * 0.05).astype(np.float32)
    limit = 1.414 * math.sqrt(6.0 / (IN_F + OUT_F))  # xavier_uniform gain=1.414
    Wq = rng.uniform(-limit, limit, (IN_F, OUT_F)).astype(np.float32)
    Wk = rng.uniform(-limit, limit, (IN_F, OUT_F)).astype(np.float32)
    Wv = rng.uniform(-limit, limit, (IN_F, OUT_F)).astype(np.float32)
    # hypergraph incidence structure: each hyperedge has K_PER member nodes
    hyp2nodes = rng.integers(0, N_NODES, size=(N_HYPER, K_PER))
    # select unique hyperedges (original code keys a dict by hyperedge id, so duplicates collapse)
    hyperedges = rng.choice(N_HYPER, size=H_SEL, replace=False).astype(np.int64)
    internal = hyp2nodes[hyperedges]            # [H_SEL, K_PER] member node lists
    flat = internal.reshape(-1)
    # unique preserving first-occurrence order, like dict.fromkeys in the original
    _, first_idx = np.unique(flat, return_index=True)
    unique_nodes = flat[np.sort(first_idx)].astype(np.int64)
    mapping = np.full(N_NODES, -1, dtype=np.int64)
    mapping[unique_nodes] = np.arange(unique_nodes.shape[0])
    col_idx = mapping[flat]
    row_idx = np.repeat(np.arange(H_SEL), K_PER).astype(np.int64)
    return {
        "node_table": jnp.asarray(node_table),
        "hyper_table": jnp.asarray(hyper_table),
        "Wq": jnp.asarray(Wq),
        "Wk": jnp.asarray(Wk),
        "Wv": jnp.asarray(Wv),
        "unique_nodes": jnp.asarray(unique_nodes),
        "hyperedge_ids": jnp.asarray(hyperedges),
        "row_idx": jnp.asarray(row_idx),
        "col_idx": jnp.asarray(col_idx),
    }

def reference(node_table, hyper_table, Wq, Wk, Wv, unique_nodes, hyperedge_ids, row_idx, col_idx):
    # embedding gathers (SparseCore-mappable)
    nodes_embed = jnp.take(node_table, unique_nodes, axis=0)      # [U, IN_F]
    hyper_embed = jnp.take(hyper_table, hyperedge_ids, axis=0)    # [H, IN_F]
    # NOTE: the original module uses query_weight for BOTH queries and keys
    # (key_weight is created but never used); value projection is computed but
    # unused in the final output. We reproduce that faithfully.
    q = hyper_embed @ Wq                                          # [H, OUT_F]
    kmat = nodes_embed @ Wq                                       # [U, OUT_F]
    vmat = nodes_embed @ Wv                                       # computed but unused, as in original
    scores = (q @ kmat.T) / math.sqrt(OUT_F)                      # [H, U]
    H = hyperedge_ids.shape[0]
    U = unique_nodes.shape[0]
    mask = jnp.full((H, U), jnp.finfo(jnp.float32).min, dtype=jnp.float32)
    # scatter-overwrite incidence positions with the computed scores
    mask = mask.at[row_idx, col_idx].set(scores[row_idx, col_idx])
    attn = jax.nn.softmax(mask, axis=1)
    out = (attn @ kmat).T                                         # [OUT_F, H]
    return out

if __name__ == "__main__":
    import jax
    _d = setup_inputs()
    print(jax.jit(kernel)(*tuple(_d.values())))

</pallas_src>

<mosaic_0001>
#map = affine_map<(d0, d1) -> (0, 0)>
#map1 = affine_map<(d0, d1) -> (0)>
module attributes {stable_mosaic.version = 14 : i64} {
  func.func @sck(%arg0: i32, %arg1: i32, %arg2: memref<50000x128xf32, #tpu.memory_space<hbm>>, %arg3: memref<10000x128xf32, #tpu.memory_space<hbm>>, %arg4: memref<24033xi32, #tpu.memory_space<hbm>>, %arg5: memref<1024xi32, #tpu.memory_space<hbm>>, %arg6: memref<32768xi32, #tpu.memory_space<hbm>>, %arg7: memref<32768x128xf32, #tpu.memory_space<hbm>>, %arg8: memref<1024x128xf32, #tpu.memory_space<hbm>>, %arg9: memref<1024xi32, #tpu.memory_space<vmem>>, %arg10: memref<1024xi32, #tpu.memory_space<vmem>>, %arg11: memref<256x128xf32, #tpu.memory_space<vmem>>, %arg12: memref<256x128xf32, #tpu.memory_space<vmem>>, %arg13: memref<256x128xf32, #tpu.memory_space<vmem>>, %arg14: memref<32xi32, #tpu.memory_space<vmem>>, %arg15: memref<32x128xf32, #tpu.memory_space<vmem>>, %arg16: memref<!tpu.dma_semaphore, #tpu.memory_space<semaphore_mem>>, %arg17: memref<!tpu.dma_semaphore, #tpu.memory_space<semaphore_mem>>, %arg18: memref<!tpu.dma_semaphore, #tpu.memory_space<semaphore_mem>>, %arg19: memref<!tpu.dma_semaphore, #tpu.memory_space<semaphore_mem>>, %arg20: memref<!tpu.dma_semaphore, #tpu.memory_space<semaphore_mem>>, %arg21: memref<!tpu.dma_semaphore, #tpu.memory_space<semaphore_mem>>, %arg22: memref<!tpu.dma_semaphore, #tpu.memory_space<semaphore_mem>>, %arg23: memref<!tpu.dma_semaphore, #tpu.memory_space<semaphore_mem>>, %arg24: memref<!tpu.dma_semaphore, #tpu.memory_space<semaphore_mem>>, %arg25: memref<!tpu.dma_semaphore, #tpu.memory_space<semaphore_mem>>, %arg26: memref<!tpu.dma_semaphore, #tpu.memory_space<semaphore_mem>>, %arg27: memref<!tpu.dma_semaphore, #tpu.memory_space<semaphore_mem>>, %arg28: memref<!tpu.dma_semaphore, #tpu.memory_space<semaphore_mem>>, %arg29: memref<!tpu.dma_semaphore, #tpu.memory_space<semaphore_mem>>, %arg30: memref<!tpu.dma_semaphore, #tpu.memory_space<semaphore_mem>>) attributes {dimension_semantics = [#tpu.dimension_semantics<core_parallel>, #tpu.dimension_semantics<subcore_parallel>], iteration_bounds = array<i64: 2, 16>, scalar_prefetch = 0 : i64, scratch_operands = 22 : i64, tpu.core_type = #tpu.core_type<sc_vector_subcore>, window_params = [{transform_indices = #map}, {transform_indices = #map}, {transform_indices = #map1}, {transform_indices = #map1}, {transform_indices = #map1}, {transform_indices = #map}, {transform_indices = #map}]} {
    %mul3A = arith.constant 2 : i32
    %mul3A_0 = arith.muli %arg1, %mul3A : i32
    %add3A = arith.addi %mul3A_0, %arg0 : i32
    %mul3A_1 = arith.constant 1024 : i32
    %mul3A_2 = arith.muli %add3A, %mul3A_1 : i32
    "tpu.region"() ({
      %run_scoped3A = tpu.sem_alloc : memref<!tpu.dma_semaphore, #tpu.memory_space<semaphore_mem>>
      %dma_start3A_185 = tpu.memref_slice %arg6[%mul3A_2] : memref<32768xi32, #tpu.memory_space<hbm>> -> memref<1024xi32, #tpu.memory_space<hbm>>
      %dma_start3A_186 = tpu.memref_slice %arg6[%mul3A_2] : memref<32768xi32, #tpu.memory_space<hbm>> -> memref<1024xi32, #tpu.memory_space<hbm>>
      tpu.enqueue_dma source(%dma_start3A_186 : memref<1024xi32, #tpu.memory_space<hbm>>) target(%arg9 : memref<1024xi32, #tpu.memory_space<vmem>>) target_semaphore(%run_scoped3A : memref<!tpu.dma_semaphore, #tpu.memory_space<semaphore_mem>>)
      %dma_wait3A_187 = tpu.memref_slice %arg6[%mul3A_2] : memref<32768xi32, #tpu.memory_space<hbm>> -> memref<1024xi32, #tpu.memory_space<hbm>>
      %dma_wait3A_188 = tpu.memref_slice %arg6[%mul3A_2] : memref<32768xi32, #tpu.memory_space<hbm>> -> memref<1024xi32, #tpu.memory_space<hbm>>
      tpu.wait_dma2 semaphore(%run_scoped3A : memref<!tpu.dma_semaphore, #tpu.memory_space<semaphore_mem>>) src(%dma_wait3A_188 : memref<1024xi32, #tpu.memory_space<hbm>>) dst(%arg9 : memref<1024xi32, #tpu.memory_space<vmem>>)
      tpu.yield
    }) : () -> ()
    %mul3A_3 = arith.constant 32 : i32
    %mul3A_4 = arith.muli %add3A, %mul3A_3 : i32
    "tpu.region"() ({
      %run_scoped3A = tpu.sem_alloc : memref<!tpu.dma_semaphore, #tpu.memory_space<semaphore_mem>>
      %dma_start3A_185 = tpu.memref_slice %arg5[%mul3A_4] : memref<1024xi32, #tpu.memory_space<hbm>> -> memref<32xi32, #tpu.memory_space<hbm>>
      %dma_start3A_186 = tpu.memref_slice %arg5[%mul3A_4] : memref<1024xi32, #tpu.memory_space<hbm>> -> memref<32xi32, #tpu.memory_space<hbm>>
      tpu.enqueue_dma source(%dma_start3A_186 : memref<32xi32, #tpu.memory_space<hbm>>) target(%arg14 : memref<32xi32, #tpu.memory_space<vmem>>) target_semaphore(%run_scoped3A : memref<!tpu.dma_semaphore, #tpu.memory_space<semaphore_mem>>)
      %dma_wait3A_187 = tpu.memref_slice %arg5[%mul3A_4] : memref<1024xi32, #tpu.memory_space<hbm>> -> memref<32xi32, #tpu.memory_space<hbm>>
      %dma_wait3A_188 = tpu.memref_slice %arg5[%mul3A_4] : memref<1024xi32, #tpu.memory_space<hbm>> -> memref<32xi32, #tpu.memory_space<hbm>>
      tpu.wait_dma2 semaphore(%run_scoped3A : memref<!tpu.dma_semaphore, #tpu.memory_space<semaphore_mem>>) src(%dma_wait3A_188 : memref<32xi32, #tpu.memory_space<hbm>>) dst(%arg14 : memref<32xi32, #tpu.memory_space<vmem>>)
      tpu.yield
    }) : () -> ()
    %dma_start3A = arith.constant 0 : i32
    %dma_start3A_5 = arith.constant 0 : i32
    %dma_start3A_6 = tpu.memref_slice %arg3[%dma_start3A, %dma_start3A_5] : memref<10000x128xf32, #tpu.memory_space<hbm>> -> memref<10000x128xf32, #tpu.memory_space<hbm>>
    tpu.enqueue_indirect_dma source(%dma_start3A_6 : memref<10000x128xf32, #tpu.memory_space<hbm>>) target(%arg15 : memref<32x128xf32, #tpu.memory_space<vmem>>) offsets(%arg14 : memref<32xi32, #tpu.memory_space<vmem>>) semaphore(%arg30 : memref<!tpu.dma_semaphore, #tpu.memory_space<semaphore_mem>>)
    %dma_start3A_7 = arith.constant 0 : i32
    %dma_start3A_8 = tpu.memref_slice %arg10[%dma_start3A_7] : memref<1024xi32, #tpu.memory_space<vmem>> -> memref<128xi32, #tpu.memory_space<vmem>>
    %dma_start3A_9 = arith.constant 0 : i32
    %dma_start3A_10 = tpu.memref_slice %arg9[%dma_start3A_9] : memref<1024xi32, #tpu.memory_space<vmem>> -> memref<128xi32, #tpu.memory_space<vmem>>
    %dma_start3A_11 = arith.constant 0 : i32
    %dma_start3A_12 = tpu.memref_slice %arg4[%dma_start3A_11] : memref<24033xi32, #tpu.memory_space<hbm>> -> memref<24033xi32, #tpu.memory_space<hbm>>
    tpu.enqueue_indirect_dma source(%dma_start3A_12 : memref<24033xi32, #tpu.memory_space<hbm>>) target(%dma_start3A_8 : memref<128xi32, #tpu.memory_space<vmem>>) offsets(%dma_start3A_10 : memref<128xi32, #tpu.memory_space<vmem>>) semaphore(%arg16 : memref<!tpu.dma_semaphore, #tpu.memory_space<semaphore_mem>>)
    %dma_start3A_13 = arith.constant 128 : i32
    %dma_start3A_14 = tpu.memref_slice %arg10[%dma_start3A_13] : memref<1024xi32, #tpu.memory_space<vmem>> -> memref<128xi32, #tpu.memory_space<vmem>>
    %dma_start3A_15 = arith.constant 128 : i32
    %dma_start3A_16 = tpu.memref_slice %arg9[%dma_start3A_15] : memref<1024xi32, #tpu.memory_space<vmem>> -> memref<128xi32, #tpu.memory_space<vmem>>
    %dma_start3A_17 = arith.constant 0 : i32
    %dma_start3A_18 = tpu.memref_slice %arg4[%dma_start3A_17] : memref<24033xi32, #tpu.memory_space<hbm>> -> memref<24033xi32, #tpu.memory_space<hbm>>
    tpu.enqueue_indirect_dma source(%dma_start3A_18 : memref<24033xi32, #tpu.memory_space<hbm>>) target(%dma_start3A_14 : memref<128xi32, #tpu.memory_space<vmem>>) offsets(%dma_start3A_16 : memref<128xi32, #tpu.memory_space<vmem>>) semaphore(%arg17 : memref<!tpu.dma_semaphore, #tpu.memory_space<semaphore_mem>>)
    %dma_start3A_19 = arith.constant 256 : i32
    %dma_start3A_20 = tpu.memref_slice %arg10[%dma_start3A_19] : memref<1024xi32, #tpu.memory_space<vmem>> -> memref<128xi32, #tpu.memory_space<vmem>>
    %dma_start3A_21 = arith.constant 256 : i32
    %dma_start3A_22 = tpu.memref_slice %arg9[%dma_start3A_21] : memref<1024xi32, #tpu.memory_space<vmem>> -> memref<128xi32, #tpu.memory_space<vmem>>
    %dma_start3A_23 = arith.constant 0 : i32
    %dma_start3A_24 = tpu.memref_slice %arg4[%dma_start3A_23] : memref<24033xi32, #tpu.memory_space<hbm>> -> memref<24033xi32, #tpu.memory_space<hbm>>
    tpu.enqueue_indirect_dma source(%dma_start3A_24 : memref<24033xi32, #tpu.memory_space<hbm>>) target(%dma_start3A_20 : memref<128xi32, #tpu.memory_space<vmem>>) offsets(%dma_start3A_22 : memref<128xi32, #tpu.memory_space<vmem>>) semaphore(%arg18 : memref<!tpu.dma_semaphore, #tpu.memory_space<semaphore_mem>>)
    %dma_start3A_25 = arith.constant 384 : i32
    %dma_start3A_26 = tpu.memref_slice %arg10[%dma_start3A_25] : memref<1024xi32, #tpu.memory_space<vmem>> -> memref<128xi32, #tpu.memory_space<vmem>>
    %dma_start3A_27 = arith.constant 384 : i32
    %dma_start3A_28 = tpu.memref_slice %arg9[%dma_start3A_27] : memref<1024xi32, #tpu.memory_space<vmem>> -> memref<128xi32, #tpu.memory_space<vmem>>
    %dma_start3A_29 = arith.constant 0 : i32
    %dma_start3A_30 = tpu.memref_slice %arg4[%dma_start3A_29] : memref<24033xi32, #tpu.memory_space<hbm>> -> memref<24033xi32, #tpu.memory_space<hbm>>
    tpu.enqueue_indirect_dma source(%dma_start3A_30 : memref<24033xi32, #tpu.memory_space<hbm>>) target(%dma_start3A_26 : memref<128xi32, #tpu.memory_space<vmem>>) offsets(%dma_start3A_28 : memref<128xi32, #tpu.memory_space<vmem>>) semaphore(%arg19 : memref<!tpu.dma_semaphore, #tpu.memory_space<semaphore_mem>>)
    %dma_start3A_31 = arith.constant 512 : i32
    %dma_start3A_32 = tpu.memref_slice %arg10[%dma_start3A_31] : memref<1024xi32, #tpu.memory_space<vmem>> -> memref<128xi32, #tpu.memory_space<vmem>>
    %dma_start3A_33 = arith.constant 512 : i32
    %dma_start3A_34 = tpu.memref_slice %arg9[%dma_start3A_33] : memref<1024xi32, #tpu.memory_space<vmem>> -> memref<128xi32, #tpu.memory_space<vmem>>
    %dma_start3A_35 = arith.constant 0 : i32
    %dma_start3A_36 = tpu.memref_slice %arg4[%dma_start3A_35] : memref<24033xi32, #tpu.memory_space<hbm>> -> memref<24033xi32, #tpu.memory_space<hbm>>
    tpu.enqueue_indirect_dma source(%dma_start3A_36 : memref<24033xi32, #tpu.memory_space<hbm>>) target(%dma_start3A_32 : memref<128xi32, #tpu.memory_space<vmem>>) offsets(%dma_start3A_34 : memref<128xi32, #tpu.memory_space<vmem>>) semaphore(%arg20 : memref<!tpu.dma_semaphore, #tpu.memory_space<semaphore_mem>>)
    %dma_start3A_37 = arith.constant 640 : i32
    %dma_start3A_38 = tpu.memref_slice %arg10[%dma_start3A_37] : memref<1024xi32, #tpu.memory_space<vmem>> -> memref<128xi32, #tpu.memory_space<vmem>>
    %dma_start3A_39 = arith.constant 640 : i32
    %dma_start3A_40 = tpu.memref_slice %arg9[%dma_start3A_39] : memref<1024xi32, #tpu.memory_space<vmem>> -> memref<128xi32, #tpu.memory_space<vmem>>
    %dma_start3A_41 = arith.constant 0 : i32
    %dma_start3A_42 = tpu.memref_slice %arg4[%dma_start3A_41] : memref<24033xi32, #tpu.memory_space<hbm>> -> memref<24033xi32, #tpu.memory_space<hbm>>
    tpu.enqueue_indirect_dma source(%dma_start3A_42 : memref<24033xi32, #tpu.memory_space<hbm>>) target(%dma_start3A_38 : memref<128xi32, #tpu.memory_space<vmem>>) offsets(%dma_start3A_40 : memref<128xi32, #tpu.memory_space<vmem>>) semaphore(%arg21 : memref<!tpu.dma_semaphore, #tpu.memory_space<semaphore_mem>>)
    %dma_start3A_43 = arith.constant 768 : i32
    %dma_start3A_44 = tpu.memref_slice %arg10[%dma_start3A_43] : memref<1024xi32, #tpu.memory_space<vmem>> -> memref<128xi32, #tpu.memory_space<vmem>>
    %dma_start3A_45 = arith.constant 768 : i32
    %dma_start3A_46 = tpu.memref_slice %arg9[%dma_start3A_45] : memref<1024xi32, #tpu.memory_space<vmem>> -> memref<128xi32, #tpu.memory_space<vmem>>
    %dma_start3A_47 = arith.constant 0 : i32
    %dma_start3A_48 = tpu.memref_slice %arg4[%dma_start3A_47] : memref<24033xi32, #tpu.memory_space<hbm>> -> memref<24033xi32, #tpu.memory_space<hbm>>
    tpu.enqueue_indirect_dma source(%dma_start3A_48 : memref<24033xi32, #tpu.memory_space<hbm>>) target(%dma_start3A_44 : memref<128xi32, #tpu.memory_space<vmem>>) offsets(%dma_start3A_46 : memref<128xi32, #tpu.memory_space<vmem>>) semaphore(%arg22 : memref<!tpu.dma_semaphore, #tpu.memory_space<semaphore_mem>>)
    %dma_start3A_49 = arith.constant 896 : i32
    %dma_start3A_50 = tpu.memref_slice %arg10[%dma_start3A_49] : memref<1024xi32, #tpu.memory_space<vmem>> -> memref<128xi32, #tpu.memory_space<vmem>>
    %dma_start3A_51 = arith.constant 896 : i32
    %dma_start3A_52 = tpu.memref_slice %arg9[%dma_start3A_51] : memref<1024xi32, #tpu.memory_space<vmem>> -> memref<128xi32, #tpu.memory_space<vmem>>
    %dma_start3A_53 = arith.constant 0 : i32
    %dma_start3A_54 = tpu.memref_slice %arg4[%dma_start3A_53] : memref<24033xi32, #tpu.memory_space<hbm>> -> memref<24033xi32, #tpu.memory_space<hbm>>
    tpu.enqueue_indirect_dma source(%dma_start3A_54 : memref<24033xi32, #tpu.memory_space<hbm>>) target(%dma_start3A_50 : memref<128xi32, #tpu.memory_space<vmem>>) offsets(%dma_start3A_52 : memref<128xi32, #tpu.memory_space<vmem>>) semaphore(%arg23 : memref<!tpu.dma_semaphore, #tpu.memory_space<semaphore_mem>>)
    %dma_wait3A = arith.constant 0 : i32
    %dma_wait3A_55 = tpu.memref_slice %arg10[%dma_wait3A] : memref<1024xi32, #tpu.memory_space<vmem>> -> memref<128xi32, #tpu.memory_space<vmem>>
    %dma_wait3A_56 = arith.constant 0 : i32
    %dma_wait3A_57 = tpu.memref_slice %arg9[%dma_wait3A_56] : memref<1024xi32, #tpu.memory_space<vmem>> -> memref<128xi32, #tpu.memory_space<vmem>>
    %dma_wait3A_58 = arith.constant 0 : i32
    %dma_wait3A_59 = tpu.memref_slice %arg4[%dma_wait3A_58] : memref<24033xi32, #tpu.memory_space<hbm>> -> memref<24033xi32, #tpu.memory_space<hbm>>
    tpu.wait_indirect_dma semaphore(%arg16 : memref<!tpu.dma_semaphore, #tpu.memory_space<semaphore_mem>>) src(%dma_wait3A_59 : memref<24033xi32, #tpu.memory_space<hbm>>) dst(%dma_wait3A_55 : memref<128xi32, #tpu.memory_space<vmem>>)
    %dma_wait3A_60 = arith.constant 128 : i32
    %dma_wait3A_61 = tpu.memref_slice %arg10[%dma_wait3A_60] : memref<1024xi32, #tpu.memory_space<vmem>> -> memref<128xi32, #tpu.memory_space<vmem>>
    %dma_wait3A_62 = arith.constant 128 : i32
    %dma_wait3A_63 = tpu.memref_slice %arg9[%dma_wait3A_62] : memref<1024xi32, #tpu.memory_space<vmem>> -> memref<128xi32, #tpu.memory_space<vmem>>
    %dma_wait3A_64 = arith.constant 0 : i32
    %dma_wait3A_65 = tpu.memref_slice %arg4[%dma_wait3A_64] : memref<24033xi32, #tpu.memory_space<hbm>> -> memref<24033xi32, #tpu.memory_space<hbm>>
    tpu.wait_indirect_dma semaphore(%arg17 : memref<!tpu.dma_semaphore, #tpu.memory_space<semaphore_mem>>) src(%dma_wait3A_65 : memref<24033xi32, #tpu.memory_space<hbm>>) dst(%dma_wait3A_61 : memref<128xi32, #tpu.memory_space<vmem>>)
    %dma_start3A_66 = arith.constant 0 : i32
    %dma_start3A_67 = tpu.memref_slice %arg10[%dma_start3A_66] : memref<1024xi32, #tpu.memory_space<vmem>> -> memref<256xi32, #tpu.memory_space<vmem>>
    %dma_start3A_68 = arith.constant 0 : i32
    %dma_start3A_69 = arith.constant 0 : i32
    %dma_start3A_70 = tpu.memref_slice %arg2[%dma_start3A_68, %dma_start3A_69] : memref<50000x128xf32, #tpu.memory_space<hbm>> -> memref<50000x128xf32, #tpu.memory_space<hbm>>
    tpu.enqueue_indirect_dma source(%dma_start3A_70 : memref<50000x128xf32, #tpu.memory_space<hbm>>) target(%arg11 : memref<256x128xf32, #tpu.memory_space<vmem>>) offsets(%dma_start3A_67 : memref<256xi32, #tpu.memory_space<vmem>>) semaphore(%arg24 : memref<!tpu.dma_semaphore, #tpu.memory_space<semaphore_mem>>)
    %dma_wait3A_71 = arith.constant 256 : i32
    %dma_wait3A_72 = tpu.memref_slice %arg10[%dma_wait3A_71] : memref<1024xi32, #tpu.memory_space<vmem>> -> memref<128xi32, #tpu.memory_space<vmem>>
    %dma_wait3A_73 = arith.constant 256 : i32
    %dma_wait3A_74 = tpu.memref_slice %arg9[%dma_wait3A_73] : memref<1024xi32, #tpu.memory_space<vmem>> -> memref<128xi32, #tpu.memory_space<vmem>>
    %dma_wait3A_75 = arith.constant 0 : i32
    %dma_wait3A_76 = tpu.memref_slice %arg4[%dma_wait3A_75] : memref<24033xi32, #tpu.memory_space<hbm>> -> memref<24033xi32, #tpu.memory_space<hbm>>
    tpu.wait_indirect_dma semaphore(%arg18 : memref<!tpu.dma_semaphore, #tpu.memory_space<semaphore_mem>>) src(%dma_wait3A_76 : memref<24033xi32, #tpu.memory_space<hbm>>) dst(%dma_wait3A_72 : memref<128xi32, #tpu.memory_space<vmem>>)
    %dma_wait3A_77 = arith.constant 384 : i32
    %dma_wait3A_78 = tpu.memref_slice %arg10[%dma_wait3A_77] : memref<1024xi32, #tpu.memory_space<vmem>> -> memref<128xi32, #tpu.memory_space<vmem>>
    %dma_wait3A_79 = arith.constant 384 : i32
    %dma_wait3A_80 = tpu.memref_slice %arg9[%dma_wait3A_79] : memref<1024xi32, #tpu.memory_space<vmem>> -> memref<128xi32, #tpu.memory_space<vmem>>
    %dma_wait3A_81 = arith.constant 0 : i32
    %dma_wait3A_82 = tpu.memref_slice %arg4[%dma_wait3A_81] : memref<24033xi32, #tpu.memory_space<hbm>> -> memref<24033xi32, #tpu.memory_space<hbm>>
    tpu.wait_indirect_dma semaphore(%arg19 : memref<!tpu.dma_semaphore, #tpu.memory_space<semaphore_mem>>) src(%dma_wait3A_82 : memref<24033xi32, #tpu.memory_space<hbm>>) dst(%dma_wait3A_78 : memref<128xi32, #tpu.memory_space<vmem>>)
    %dma_start3A_83 = arith.constant 256 : i32
    %dma_start3A_84 = tpu.memref_slice %arg10[%dma_start3A_83] : memref<1024xi32, #tpu.memory_space<vmem>> -> memref<256xi32, #tpu.memory_space<vmem>>
    %dma_start3A_85 = arith.constant 0 : i32
    %dma_start3A_86 = arith.constant 0 : i32
    %dma_start3A_87 = tpu.memref_slice %arg2[%dma_start3A_85, %dma_start3A_86] : memref<50000x128xf32, #tpu.memory_space<hbm>> -> memref<50000x128xf32, #tpu.memory_space<hbm>>
    tpu.enqueue_indirect_dma source(%dma_start3A_87 : memref<50000x128xf32, #tpu.memory_space<hbm>>) target(%arg12 : memref<256x128xf32, #tpu.memory_space<vmem>>) offsets(%dma_start3A_84 : memref<256xi32, #tpu.memory_space<vmem>>) semaphore(%arg25 : memref<!tpu.dma_semaphore, #tpu.memory_space<semaphore_mem>>)
    %dma_wait3A_88 = arith.constant 512 : i32
    %dma_wait3A_89 = tpu.memref_slice %arg10[%dma_wait3A_88] : memref<1024xi32, #tpu.memory_space<vmem>> -> memref<128xi32, #tpu.memory_space<vmem>>
    %dma_wait3A_90 = arith.constant 512 : i32
    %dma_wait3A_91 = tpu.memref_slice %arg9[%dma_wait3A_90] : memref<1024xi32, #tpu.memory_space<vmem>> -> memref<128xi32, #tpu.memory_space<vmem>>
    %dma_wait3A_92 = arith.constant 0 : i32
    %dma_wait3A_93 = tpu.memref_slice %arg4[%dma_wait3A_92] : memref<24033xi32, #tpu.memory_space<hbm>> -> memref<24033xi32, #tpu.memory_space<hbm>>
    tpu.wait_indirect_dma semaphore(%arg20 : memref<!tpu.dma_semaphore, #tpu.memory_space<semaphore_mem>>) src(%dma_wait3A_93 : memref<24033xi32, #tpu.memory_space<hbm>>) dst(%dma_wait3A_89 : memref<128xi32, #tpu.memory_space<vmem>>)
    %dma_wait3A_94 = arith.constant 640 : i32
    %dma_wait3A_95 = tpu.memref_slice %arg10[%dma_wait3A_94] : memref<1024xi32, #tpu.memory_space<vmem>> -> memref<128xi32, #tpu.memory_space<vmem>>
    %dma_wait3A_96 = arith.constant 640 : i32
    %dma_wait3A_97 = tpu.memref_slice %arg9[%dma_wait3A_96] : memref<1024xi32, #tpu.memory_space<vmem>> -> memref<128xi32, #tpu.memory_space<vmem>>
    %dma_wait3A_98 = arith.constant 0 : i32
    %dma_wait3A_99 = tpu.memref_slice %arg4[%dma_wait3A_98] : memref<24033xi32, #tpu.memory_space<hbm>> -> memref<24033xi32, #tpu.memory_space<hbm>>
    tpu.wait_indirect_dma semaphore(%arg21 : memref<!tpu.dma_semaphore, #tpu.memory_space<semaphore_mem>>) src(%dma_wait3A_99 : memref<24033xi32, #tpu.memory_space<hbm>>) dst(%dma_wait3A_95 : memref<128xi32, #tpu.memory_space<vmem>>)
    %dma_start3A_100 = arith.constant 512 : i32
    %dma_start3A_101 = tpu.memref_slice %arg10[%dma_start3A_100] : memref<1024xi32, #tpu.memory_space<vmem>> -> memref<256xi32, #tpu.memory_space<vmem>>
    %dma_start3A_102 = arith.constant 0 : i32
    %dma_start3A_103 = arith.constant 0 : i32
    %dma_start3A_104 = tpu.memref_slice %arg2[%dma_start3A_102, %dma_start3A_103] : memref<50000x128xf32, #tpu.memory_space<hbm>> -> memref<50000x128xf32, #tpu.memory_space<hbm>>
    tpu.enqueue_indirect_dma source(%dma_start3A_104 : memref<50000x128xf32, #tpu.memory_space<hbm>>) target(%arg13 : memref<256x128xf32, #tpu.memory_space<vmem>>) offsets(%dma_start3A_101 : memref<256xi32, #tpu.memory_space<vmem>>) semaphore(%arg26 : memref<!tpu.dma_semaphore, #tpu.memory_space<semaphore_mem>>)
    %dma_wait3A_105 = arith.constant 0 : i32
    %dma_wait3A_106 = tpu.memref_slice %arg10[%dma_wait3A_105] : memref<1024xi32, #tpu.memory_space<vmem>> -> memref<256xi32, #tpu.memory_space<vmem>>
    %dma_wait3A_107 = arith.constant 0 : i32
    %dma_wait3A_108 = arith.constant 0 : i32
    %dma_wait3A_109 = tpu.memref_slice %arg2[%dma_wait3A_107, %dma_wait3A_108] : memref<50000x128xf32, #tpu.memory_space<hbm>> -> memref<50000x128xf32, #tpu.memory_space<hbm>>
    tpu.wait_indirect_dma semaphore(%arg24 : memref<!tpu.dma_semaphore, #tpu.memory_space<semaphore_mem>>) src(%dma_wait3A_109 : memref<50000x128xf32, #tpu.memory_space<hbm>>) dst(%arg11 : memref<256x128xf32, #tpu.memory_space<vmem>>)
    %add3A_110 = arith.constant 0 : i32
    %add3A_111 = arith.addi %mul3A_2, %add3A_110 : i32
    %dma_start3A_112 = arith.constant 0 : i32
    %dma_start3A_113 = tpu.memref_slice %arg7[%add3A_111, %dma_start3A_112] : memref<32768x128xf32, #tpu.memory_space<hbm>> -> memref<256x128xf32, #tpu.memory_space<hbm>>
    %dma_start3A_114 = arith.constant 0 : i32
    %dma_start3A_115 = tpu.memref_slice %arg7[%add3A_111, %dma_start3A_114] : memref<32768x128xf32, #tpu.memory_space<hbm>> -> memref<256x128xf32, #tpu.memory_space<hbm>>
    tpu.enqueue_dma source(%arg11 : memref<256x128xf32, #tpu.memory_space<vmem>>) target(%dma_start3A_115 : memref<256x128xf32, #tpu.memory_space<hbm>>) target_semaphore(%arg27 : memref<!tpu.dma_semaphore, #tpu.memory_space<semaphore_mem>>)
    %dma_wait3A_116 = arith.constant 768 : i32
    %dma_wait3A_117 = tpu.memref_slice %arg10[%dma_wait3A_116] : memref<1024xi32, #tpu.memory_space<vmem>> -> memref<128xi32, #tpu.memory_space<vmem>>
    %dma_wait3A_118 = arith.constant 768 : i32
    %dma_wait3A_119 = tpu.memref_slice %arg9[%dma_wait3A_118] : memref<1024xi32, #tpu.memory_space<vmem>> -> memref<128xi32, #tpu.memory_space<vmem>>
    %dma_wait3A_120 = arith.constant 0 : i32
    %dma_wait3A_121 = tpu.memref_slice %arg4[%dma_wait3A_120] : memref<24033xi32, #tpu.memory_space<hbm>> -> memref<24033xi32, #tpu.memory_space<hbm>>
    tpu.wait_indirect_dma semaphore(%arg22 : memref<!tpu.dma_semaphore, #tpu.memory_space<semaphore_mem>>) src(%dma_wait3A_121 : memref<24033xi32, #tpu.memory_space<hbm>>) dst(%dma_wait3A_117 : memref<128xi32, #tpu.memory_space<vmem>>)
    %dma_wait3A_122 = arith.constant 896 : i32
    %dma_wait3A_123 = tpu.memref_slice %arg10[%dma_wait3A_122] : memref<1024xi32, #tpu.memory_space<vmem>> -> memref<128xi32, #tpu.memory_space<vmem>>
    %dma_wait3A_124 = arith.constant 896 : i32
    %dma_wait3A_125 = tpu.memref_slice %arg9[%dma_wait3A_124] : memref<1024xi32, #tpu.memory_space<vmem>> -> memref<128xi32, #tpu.memory_space<vmem>>
    %dma_wait3A_126 = arith.constant 0 : i32
    %dma_wait3A_127 = tpu.memref_slice %arg4[%dma_wait3A_126] : memref<24033xi32, #tpu.memory_space<hbm>> -> memref<24033xi32, #tpu.memory_space<hbm>>
    tpu.wait_indirect_dma semaphore(%arg23 : memref<!tpu.dma_semaphore, #tpu.memory_space<semaphore_mem>>) src(%dma_wait3A_127 : memref<24033xi32, #tpu.memory_space<hbm>>) dst(%dma_wait3A_123 : memref<128xi32, #tpu.memory_space<vmem>>)
    %dma_wait3A_128 = arith.constant 0 : i32
    %dma_wait3A_129 = tpu.memref_slice %arg7[%add3A_111, %dma_wait3A_128] : memref<32768x128xf32, #tpu.memory_space<hbm>> -> memref<256x128xf32, #tpu.memory_space<hbm>>
    %dma_wait3A_130 = arith.constant 0 : i32
    %dma_wait3A_131 = tpu.memref_slice %arg7[%add3A_111, %dma_wait3A_130] : memref<32768x128xf32, #tpu.memory_space<hbm>> -> memref<256x128xf32, #tpu.memory_space<hbm>>
    tpu.wait_dma2 semaphore(%arg27 : memref<!tpu.dma_semaphore, #tpu.memory_space<semaphore_mem>>) src(%arg11 : memref<256x128xf32, #tpu.memory_space<vmem>>) dst(%dma_wait3A_131 : memref<256x128xf32, #tpu.memory_space<hbm>>)
    %dma_start3A_132 = arith.constant 768 : i32
    %dma_start3A_133 = tpu.memref_slice %arg10[%dma_start3A_132] : memref<1024xi32, #tpu.memory_space<vmem>> -> memref<256xi32, #tpu.memory_space<vmem>>
    %dma_start3A_134 = arith.constant 0 : i32
    %dma_start3A_135 = arith.constant 0 : i32
    %dma_start3A_136 = tpu.memref_slice %arg2[%dma_start3A_134, %dma_start3A_135] : memref<50000x128xf32, #tpu.memory_space<hbm>> -> memref<50000x128xf32, #tpu.memory_space<hbm>>
    tpu.enqueue_indirect_dma source(%dma_start3A_136 : memref<50000x128xf32, #tpu.memory_space<hbm>>) target(%arg11 : memref<256x128xf32, #tpu.memory_space<vmem>>) offsets(%dma_start3A_133 : memref<256xi32, #tpu.memory_space<vmem>>) semaphore(%arg24 : memref<!tpu.dma_semaphore, #tpu.memory_space<semaphore_mem>>)
    %dma_wait3A_137 = arith.constant 256 : i32
    %dma_wait3A_138 = tpu.memref_slice %arg10[%dma_wait3A_137] : memref<1024xi32, #tpu.memory_space<vmem>> -> memref<256xi32, #tpu.memory_space<vmem>>
    %dma_wait3A_139 = arith.constant 0 : i32
    %dma_wait3A_140 = arith.constant 0 : i32
    %dma_wait3A_141 = tpu.memref_slice %arg2[%dma_wait3A_139, %dma_wait3A_140] : memref<50000x128xf32, #tpu.memory_space<hbm>> -> memref<50000x128xf32, #tpu.memory_space<hbm>>
    tpu.wait_indirect_dma semaphore(%arg25 : memref<!tpu.dma_semaphore, #tpu.memory_space<semaphore_mem>>) src(%dma_wait3A_141 : memref<50000x128xf32, #tpu.memory_space<hbm>>) dst(%arg12 : memref<256x128xf32, #tpu.memory_space<vmem>>)
    %add3A_142 = arith.constant 256 : i32
    %add3A_143 = arith.addi %mul3A_2, %add3A_142 : i32
    %dma_start3A_144 = arith.constant 0 : i32
    %dma_start3A_145 = tpu.memref_slice %arg7[%add3A_143, %dma_start3A_144] : memref<32768x128xf32, #tpu.memory_space<hbm>> -> memref<256x128xf32, #tpu.memory_space<hbm>>
    %dma_start3A_146 = arith.constant 0 : i32
    %dma_start3A_147 = tpu.memref_slice %arg7[%add3A_143, %dma_start3A_146] : memref<32768x128xf32, #tpu.memory_space<hbm>> -> memref<256x128xf32, #tpu.memory_space<hbm>>
    tpu.enqueue_dma source(%arg12 : memref<256x128xf32, #tpu.memory_space<vmem>>) target(%dma_start3A_147 : memref<256x128xf32, #tpu.memory_space<hbm>>) target_semaphore(%arg28 : memref<!tpu.dma_semaphore, #tpu.memory_space<semaphore_mem>>)
    %dma_wait3A_148 = arith.constant 512 : i32
    %dma_wait3A_149 = tpu.memref_slice %arg10[%dma_wait3A_148] : memref<1024xi32, #tpu.memory_space<vmem>> -> memref<256xi32, #tpu.memory_space<vmem>>
    %dma_wait3A_150 = arith.constant 0 : i32
    %dma_wait3A_151 = arith.constant 0 : i32
    %dma_wait3A_152 = tpu.memref_slice %arg2[%dma_wait3A_150, %dma_wait3A_151] : memref<50000x128xf32, #tpu.memory_space<hbm>> -> memref<50000x128xf32, #tpu.memory_space<hbm>>
    tpu.wait_indirect_dma semaphore(%arg26 : memref<!tpu.dma_semaphore, #tpu.memory_space<semaphore_mem>>) src(%dma_wait3A_152 : memref<50000x128xf32, #tpu.memory_space<hbm>>) dst(%arg13 : memref<256x128xf32, #tpu.memory_space<vmem>>)
    %add3A_153 = arith.constant 512 : i32
    %add3A_154 = arith.addi %mul3A_2, %add3A_153 : i32
    %dma_start3A_155 = arith.constant 0 : i32
    %dma_start3A_156 = tpu.memref_slice %arg7[%add3A_154, %dma_start3A_155] : memref<32768x128xf32, #tpu.memory_space<hbm>> -> memref<256x128xf32, #tpu.memory_space<hbm>>
    %dma_start3A_157 = arith.constant 0 : i32
    %dma_start3A_158 = tpu.memref_slice %arg7[%add3A_154, %dma_start3A_157] : memref<32768x128xf32, #tpu.memory_space<hbm>> -> memref<256x128xf32, #tpu.memory_space<hbm>>
    tpu.enqueue_dma source(%arg13 : memref<256x128xf32, #tpu.memory_space<vmem>>) target(%dma_start3A_158 : memref<256x128xf32, #tpu.memory_space<hbm>>) target_semaphore(%arg29 : memref<!tpu.dma_semaphore, #tpu.memory_space<semaphore_mem>>)
    %dma_wait3A_159 = arith.constant 768 : i32
    %dma_wait3A_160 = tpu.memref_slice %arg10[%dma_wait3A_159] : memref<1024xi32, #tpu.memory_space<vmem>> -> memref<256xi32, #tpu.memory_space<vmem>>
    %dma_wait3A_161 = arith.constant 0 : i32
    %dma_wait3A_162 = arith.constant 0 : i32
    %dma_wait3A_163 = tpu.memref_slice %arg2[%dma_wait3A_161, %dma_wait3A_162] : memref<50000x128xf32, #tpu.memory_space<hbm>> -> memref<50000x128xf32, #tpu.memory_space<hbm>>
    tpu.wait_indirect_dma semaphore(%arg24 : memref<!tpu.dma_semaphore, #tpu.memory_space<semaphore_mem>>) src(%dma_wait3A_163 : memref<50000x128xf32, #tpu.memory_space<hbm>>) dst(%arg11 : memref<256x128xf32, #tpu.memory_space<vmem>>)
    %add3A_164 = arith.constant 768 : i32
    %add3A_165 = arith.addi %mul3A_2, %add3A_164 : i32
    %dma_start3A_166 = arith.constant 0 : i32
    %dma_start3A_167 = tpu.memref_slice %arg7[%add3A_165, %dma_start3A_166] : memref<32768x128xf32, #tpu.memory_space<hbm>> -> memref<256x128xf32, #tpu.memory_space<hbm>>
    %dma_start3A_168 = arith.constant 0 : i32
    %dma_start3A_169 = tpu.memref_slice %arg7[%add3A_165, %dma_start3A_168] : memref<32768x128xf32, #tpu.memory_space<hbm>> -> memref<256x128xf32, #tpu.memory_space<hbm>>
    tpu.enqueue_dma source(%arg11 : memref<256x128xf32, #tpu.memory_space<vmem>>) target(%dma_start3A_169 : memref<256x128xf32, #tpu.memory_space<hbm>>) target_semaphore(%arg27 : memref<!tpu.dma_semaphore, #tpu.memory_space<semaphore_mem>>)
    %dma_wait3A_170 = arith.constant 0 : i32
    %dma_wait3A_171 = tpu.memref_slice %arg7[%add3A_143, %dma_wait3A_170] : memref<32768x128xf32, #tpu.memory_space<hbm>> -> memref<256x128xf32, #tpu.memory_space<hbm>>
    %dma_wait3A_172 = arith.constant 0 : i32
    %dma_wait3A_173 = tpu.memref_slice %arg7[%add3A_143, %dma_wait3A_172] : memref<32768x128xf32, #tpu.memory_space<hbm>> -> memref<256x128xf32, #tpu.memory_space<hbm>>
    tpu.wait_dma2 semaphore(%arg28 : memref<!tpu.dma_semaphore, #tpu.memory_space<semaphore_mem>>) src(%arg12 : memref<256x128xf32, #tpu.memory_space<vmem>>) dst(%dma_wait3A_173 : memref<256x128xf32, #tpu.memory_space<hbm>>)
    %dma_wait3A_174 = arith.constant 0 : i32
    %dma_wait3A_175 = tpu.memref_slice %arg7[%add3A_154, %dma_wait3A_174] : memref<32768x128xf32, #tpu.memory_space<hbm>> -> memref<256x128xf32, #tpu.memory_space<hbm>>
    %dma_wait3A_176 = arith.constant 0 : i32
    %dma_wait3A_177 = tpu.memref_slice %arg7[%add3A_154, %dma_wait3A_176] : memref<32768x128xf32, #tpu.memory_space<hbm>> -> memref<256x128xf32, #tpu.memory_space<hbm>>
    tpu.wait_dma2 semaphore(%arg29 : memref<!tpu.dma_semaphore, #tpu.memory_space<semaphore_mem>>) src(%arg13 : memref<256x128xf32, #tpu.memory_space<vmem>>) dst(%dma_wait3A_177 : memref<256x128xf32, #tpu.memory_space<hbm>>)
    %dma_wait3A_178 = arith.constant 0 : i32
    %dma_wait3A_179 = tpu.memref_slice %arg7[%add3A_165, %dma_wait3A_178] : memref<32768x128xf32, #tpu.memory_space<hbm>> -> memref<256x128xf32, #tpu.memory_space<hbm>>
    %dma_wait3A_180 = arith.constant 0 : i32
    %dma_wait3A_181 = tpu.memref_slice %arg7[%add3A_165, %dma_wait3A_180] : memref<32768x128xf32, #tpu.memory_space<hbm>> -> memref<256x128xf32, #tpu.memory_space<hbm>>
    tpu.wait_dma2 semaphore(%arg27 : memref<!tpu.dma_semaphore, #tpu.memory_space<semaphore_mem>>) src(%arg11 : memref<256x128xf32, #tpu.memory_space<vmem>>) dst(%dma_wait3A_181 : memref<256x128xf32, #tpu.memory_space<hbm>>)
    %dma_wait3A_182 = arith.constant 0 : i32
    %dma_wait3A_183 = arith.constant 0 : i32
    %dma_wait3A_184 = tpu.memref_slice %arg3[%dma_wait3A_182, %dma_wait3A_183] : memref<10000x128xf32, #tpu.memory_space<hbm>> -> memref<10000x128xf32, #tpu.memory_space<hbm>>
    tpu.wait_indirect_dma semaphore(%arg30 : memref<!tpu.dma_semaphore, #tpu.memory_space<semaphore_mem>>) src(%dma_wait3A_184 : memref<10000x128xf32, #tpu.memory_space<hbm>>) dst(%arg15 : memref<32x128xf32, #tpu.memory_space<vmem>>)
    "tpu.region"() ({
      %run_scoped3A = tpu.sem_alloc : memref<!tpu.dma_semaphore, #tpu.memory_space<semaphore_mem>>
      %dma_start3A_185 = arith.constant 0 : i32
      %dma_start3A_186 = tpu.memref_slice %arg8[%mul3A_4, %dma_start3A_185] : memref<1024x128xf32, #tpu.memory_space<hbm>> -> memref<32x128xf32, #tpu.memory_space<hbm>>
      %dma_start3A_187 = arith.constant 0 : i32
      %dma_start3A_188 = tpu.memref_slice %arg8[%mul3A_4, %dma_start3A_187] : memref<1024x128xf32, #tpu.memory_space<hbm>> -> memref<32x128xf32, #tpu.memory_space<hbm>>
      tpu.enqueue_dma source(%arg15 : memref<32x128xf32, #tpu.memory_space<vmem>>) target(%dma_start3A_188 : memref<32x128xf32, #tpu.memory_space<hbm>>) target_semaphore(%run_scoped3A : memref<!tpu.dma_semaphore, #tpu.memory_space<semaphore_mem>>)
      %dma_wait3A_189 = arith.constant 0 : i32
      %dma_wait3A_190 = tpu.memref_slice %arg8[%mul3A_4, %dma_wait3A_189] : memref<1024x128xf32, #tpu.memory_space<hbm>> -> memref<32x128xf32, #tpu.memory_space<hbm>>
      %dma_wait3A_191 = arith.constant 0 : i32
      %dma_wait3A_192 = tpu.memref_slice %arg8[%mul3A_4, %dma_wait3A_191] : memref<1024x128xf32, #tpu.memory_space<hbm>> -> memref<32x128xf32, #tpu.memory_space<hbm>>
      tpu.wait_dma2 semaphore(%run_scoped3A : memref<!tpu.dma_semaphore, #tpu.memory_space<semaphore_mem>>) src(%arg15 : memref<32x128xf32, #tpu.memory_space<vmem>>) dst(%dma_wait3A_192 : memref<32x128xf32, #tpu.memory_space<hbm>>)
      tpu.yield
    }) : () -> ()
    return
  }
}

module attributes {stable_mosaic.version = 14 : i64} {
  func.func @_tc_body(%arg0: i32, %arg1: memref<8192x128xf32, #tpu.memory_space<vmem>>, %arg2: memref<256x128xf32, #tpu.memory_space<vmem>>, %arg3: memref<128x128xf32, #tpu.memory_space<vmem>>, %arg4: memref<32x256xi32, #tpu.memory_space<vmem>>, %arg5: memref<128x256xf32, #tpu.memory_space<vmem>>) attributes {dimension_semantics = [#tpu.dimension_semantics<arbitrary>], iteration_bounds = array<i64: 4>, scalar_prefetch = 0 : i64, scratch_operands = 0 : i64, tpu.core_type = #tpu.core_type<tc>, window_params = [{transform_indices = @transform_0, window_bounds = array<i64: 8192, 128>}, {transform_indices = @transform_1, window_bounds = array<i64: 256, 128>}, {pipeline_mode = #tpu.pipeline_mode<synchronous>, transform_indices = @transform_2, window_bounds = array<i64: 128, 128>}, {transform_indices = @transform_3, window_bounds = array<i64: 32, 256>}, {transform_indices = @transform_4, window_bounds = array<i64: 128, 256>}]} {
    %get3A = arith.constant 0 : index
    %get3A_0 = arith.constant 0 : index
    %get3A_1 = vector.load %arg3[%get3A, %get3A_0] : memref<128x128xf32, #tpu.memory_space<vmem>>, vector<128x128xf32>
    %get3A_2 = arith.constant 0 : index
    %get3A_3 = arith.constant 0 : index
    %get3A_4 = vector.load %arg2[%get3A_2, %get3A_3] : memref<256x128xf32, #tpu.memory_space<vmem>>, vector<256x128xf32>
    %dot_general3A = arith.constant dense<0.000000e+00> : vector<256x128xf32>
    %dot_general3A_5 = tpu.matmul %get3A_4, %get3A_1, %dot_general3A {dimension_numbers = #tpu.dot_dimension_numbers<[1], [0], [0], [1], [0, 0, 1, 1], [], []>, transpose_lhs_hint = false} : vector<256x128xf32>, vector<128x128xf32>, vector<256x128xf32> -> vector<256x128xf32>
    %get3A_6 = arith.constant 0 : index
    %get3A_7 = arith.constant 0 : index
    %get3A_8 = vector.load %arg1[%get3A_6, %get3A_7] : memref<8192x128xf32, #tpu.memory_space<vmem>>, vector<8192x128xf32>
    %dot_general3A_9 = arith.constant dense<0.000000e+00> : vector<8192x128xf32>
    %dot_general3A_10 = tpu.matmul %get3A_8, %get3A_1, %dot_general3A_9 {dimension_numbers = #tpu.dot_dimension_numbers<[1], [0], [0], [1], [0, 0, 1, 1], [], []>, transpose_lhs_hint = false} : vector<8192x128xf32>, vector<128x128xf32>, vector<8192x128xf32> -> vector<8192x128xf32>
    %reshape3A = vector.shape_cast %dot_general3A_10 : vector<8192x128xf32> to vector<256x32x128xf32>
    %broadcast_in_dim3A = vector.shape_cast %dot_general3A_5 : vector<256x128xf32> to vector<256x1x128xf32>
    %mul3A = vector.broadcast %broadcast_in_dim3A : vector<256x1x128xf32> to vector<256x32x128xf32>
    %mul3A_11 = arith.mulf %reshape3A, %mul3A : vector<256x32x128xf32>
    %reduce_sum3A = arith.constant dense<0.000000e+00> : vector<256x32xf32>
    %reduce_sum3A_12 = vector.multi_reduction <add>, %mul3A_11, %reduce_sum3A [2] : vector<256x32x128xf32> to vector<256x32xf32>
    %mul3A_13 = arith.constant 0.0883883461 : f32
    %mul3A_14 = vector.broadcast %mul3A_13 : f32 to vector<256x32xf32>
    %mul3A_15 = arith.mulf %reduce_sum3A_12, %mul3A_14 : vector<256x32xf32>
    %transpose3A = tpu.transpose %mul3A_15, [1, 0] : vector<256x32xf32> -> vector<32x256xf32>
    %get3A_16 = arith.constant 0 : index
    %get3A_17 = arith.constant 0 : index
    %get3A_18 = vector.load %arg4[%get3A_16, %get3A_17] : memref<32x256xi32, #tpu.memory_space<vmem>>, vector<32x256xi32>
    %broadcast_in_dim3A_19 = vector.shape_cast %get3A_18 : vector<32x256xi32> to vector<32x1x256xi32>
    %broadcast_in_dim3A_20 = vector.shape_cast %get3A_18 : vector<32x256xi32> to vector<1x32x256xi32>
    %eq3A = vector.broadcast %broadcast_in_dim3A_19 : vector<32x1x256xi32> to vector<32x32x256xi32>
    %eq3A_21 = vector.broadcast %broadcast_in_dim3A_20 : vector<1x32x256xi32> to vector<32x32x256xi32>
    %eq3A_22 = arith.cmpi eq, %eq3A, %eq3A_21 : vector<32x32x256xi32>
    %iota3A = tpu.iota {dimensions = array<i32: 0>} : vector<32x32x1xi32>
    %iota3A_23 = tpu.iota {dimensions = array<i32: 1>} : vector<32x32x1xi32>
    %lt3A = arith.cmpi slt, %iota3A_23, %iota3A : vector<32x32x1xi32>
    %and3A = vector.broadcast %lt3A : vector<32x32x1xi1> to vector<32x32x256xi1>
    %and3A_24 = arith.andi %eq3A_22, %and3A : vector<32x32x256xi1>
    %reduce_or3A = arith.constant 1.000000e+00 : f32
    %reduce_or3A_25 = arith.constant 0.000000e+00 : f32
    %reduce_or3A_26 = vector.broadcast %reduce_or3A : f32 to vector<32x32x256xf32>
    %reduce_or3A_27 = vector.broadcast %reduce_or3A_25 : f32 to vector<32x32x256xf32>
    %reduce_or3A_28 = arith.select %and3A_24, %reduce_or3A_26, %reduce_or3A_27 : vector<32x32x256xi1>, vector<32x32x256xf32>
    %reduce_or3A_29 = arith.constant dense<0xFF800000> : vector<32x256xf32>
    %reduce_or3A_30 = vector.multi_reduction <maximumf>, %reduce_or3A_28, %reduce_or3A_29 [1] : vector<32x32x256xf32> to vector<32x256xf32>
    %reduce_or3A_31 = arith.constant 0.000000e+00 : f32
    %reduce_or3A_32 = vector.broadcast %reduce_or3A_31 : f32 to vector<32x256xf32>
    %reduce_or3A_33 = arith.cmpf ogt, %reduce_or3A_30, %reduce_or3A_32 : vector<32x256xf32>
    %not3A = arith.constant dense<true> : vector<32x256xi1>
    %not3A_34 = arith.xori %reduce_or3A_33, %not3A : vector<32x256xi1>
    %jit3A = arith.constant -1.000000e+30 : f32
    %broadcast_in_dim3A_35 = vector.broadcast %jit3A : f32 to vector<32x256xf32>
    %select_n3A = arith.select %not3A_34, %transpose3A, %broadcast_in_dim3A_35 : vector<32x256xi1>, vector<32x256xf32>
    %reduce_max3A = arith.constant dense<0xFF800000> : vector<256xf32>
    %reduce_max3A_36 = vector.multi_reduction <maximumf>, %select_n3A, %reduce_max3A [0] : vector<32x256xf32> to vector<256xf32>
    %broadcast_in_dim3A_37 = vector.shape_cast %reduce_max3A_36 : vector<256xf32> to vector<1x256xf32>
    %sub3A = vector.broadcast %broadcast_in_dim3A_37 : vector<1x256xf32> to vector<32x256xf32>
    %sub3A_38 = arith.subf %transpose3A, %sub3A : vector<32x256xf32>
    %exp3A = math.exp %sub3A_38 : vector<32x256xf32>
    %jit3A_39 = arith.constant 0.000000e+00 : f32
    %broadcast_in_dim3A_40 = vector.broadcast %jit3A_39 : f32 to vector<32x256xf32>
    %select_n3A_41 = arith.select %not3A_34, %exp3A, %broadcast_in_dim3A_40 : vector<32x256xi1>, vector<32x256xf32>
    %reduce_sum3A_42 = arith.constant dense<0.000000e+00> : vector<256xf32>
    %reduce_sum3A_43 = vector.multi_reduction <add>, %select_n3A_41, %reduce_sum3A_42 [0] : vector<32x256xf32> to vector<256xf32>
    %broadcast_in_dim3A_44 = vector.shape_cast %reduce_sum3A_43 : vector<256xf32> to vector<1x256xf32>
    %div3A = vector.broadcast %broadcast_in_dim3A_44 : vector<1x256xf32> to vector<32x256xf32>
    %div3A_45 = arith.divf %select_n3A_41, %div3A : vector<32x256xf32>
    %transpose3A_46 = tpu.transpose %div3A_45, [1, 0] : vector<32x256xf32> -> vector<256x32xf32>
    %broadcast_in_dim3A_47 = vector.shape_cast %transpose3A_46 : vector<256x32xf32> to vector<256x32x1xf32>
    %mul3A_48 = vector.broadcast %broadcast_in_dim3A_47 : vector<256x32x1xf32> to vector<256x32x128xf32>
    %mul3A_49 = arith.mulf %reshape3A, %mul3A_48 : vector<256x32x128xf32>
    %reduce_sum3A_50 = arith.constant dense<0.000000e+00> : vector<256x128xf32>
    %reduce_sum3A_51 = vector.multi_reduction <add>, %mul3A_49, %reduce_sum3A_50 [1] : vector<256x32x128xf32> to vector<256x128xf32>
    %transpose3A_52 = tpu.transpose %reduce_sum3A_51, [1, 0] : vector<256x128xf32> -> vector<128x256xf32>
    %swap3A = arith.constant 0 : index
    %swap3A_53 = arith.constant 0 : index
    %swap3A_54 = vector.load %arg5[%swap3A, %swap3A_53] : memref<128x256xf32, #tpu.memory_space<vmem>>, vector<128x256xf32>
    tpu.vector_store %arg5[%swap3A, %swap3A_53], %transpose3A_52 {strides = array<i32>} : memref<128x256xf32, #tpu.memory_space<vmem>>, vector<128x256xf32>,
    return
  }
  func.func @transform_0(%arg0: i32) -> (i32, i32) {
    %c0_i32 = arith.constant 0 : i32
    %c0_i32_0 = arith.constant 0 : i32
    return %arg0, %c0_i32 : i32, i32
  }
  func.func @transform_1(%arg0: i32) -> (i32, i32) {
    %c0_i32 = arith.constant 0 : i32
    %c0_i32_0 = arith.constant 0 : i32
    return %arg0, %c0_i32 : i32, i32
  }
  func.func @transform_2(%arg0: i32) -> (i32, i32) {
    %c0_i32 = arith.constant 0 : i32
    %c0_i32_0 = arith.constant 0 : i32
    %c0_i32_1 = arith.constant 0 : i32
    return %c0_i32, %c0_i32_0 : i32, i32
  }
  func.func @transform_3(%arg0: i32) -> (i32, i32) {
    %c0_i32 = arith.constant 0 : i32
    %c0_i32_0 = arith.constant 0 : i32
    return %c0_i32, %arg0 : i32, i32
  }
  func.func @transform_4(%arg0: i32) -> (i32, i32) {
    %c0_i32 = arith.constant 0 : i32
    %c0_i32_0 = arith.constant 0 : i32
    return %c0_i32, %arg0 : i32, i32
  }
}

</mosaic_0001>

<sc_bundles>
// kernel: kernel.4.cloned.1.call-start
scs
__scs_entry_jumppad:
0x0: {  	(pc) =	sbr.rel $0x88, $3  }
0x1: {  	(tag) =	ssettag $0x0;
	lr =	simm.s32 $0x1  }
0x2: {  	[smem:$0x3F9B] =	sst lr;
	_ =	strace $0xD0000000  }
0x3: {  	_ = 	snop  }
0x4: {  	_ = 	snop  }
0x5: {  	_ = 	snop  }
0x6: {  	_ = 	snop  }
0x7: {  	_ = 	snop  }
__scs_overlays_trampoline_lowered:
0x8: {  	[smem:$0x3FAA] =	sst s0  }
0x9: {  	[smem:$0x3FAB] =	sst s1  }
0xa: {  	[smem:$0x3FAC] =	sst s2  }
0xb: {  	[smem:$0x3FAD] =	sst s3  }
0xc: {  	[smem:$0x3FAE] =	sst s4  }
0xd: {  	[smem:$0x3FAF] =	sst s5  }
0xe: {  	[smem:$0x3FB0] =	sst s6  }
0xf: {  	[smem:$0x3FB1] =	sst s7  }
0x10: {  	[smem:$0x3FB2] =	sst s8  }
0x11: {  	[smem:$0x3FB3] =	sst s9;
	s0 =	simm.s32 @!p0 $0x0  }
0x12: {  	s1 =	sld [smem:$0x3F99];
	s0 =	simm.s32 @p0 $0x1  }
0x13: {  	[smem:$0x3FB4] =	sst s0;
	s0 =	simm.s32 @!p1 $0x0  }
0x14: {  	s2 =	sld [smem:$0x3F98];
	s0 =	simm.s32 @p1 $0x1  }
0x15: {  	[smem:$0x3FB5] =	sst s0;
	s0 =	simm.s32 @!p2 $0x0  }
0x16: {  	s3 =	sld [smem:$0x3FDB];
	s0 =	simm.s32 @p2 $0x1  }
0x17: {  	s4 =	simm.s32 $0x1BF5;
	[smem:$0x3FB7] =	sst s0  }
0x18: {  	s0 =	sld [smem:$0x3F9A];
	_ =	swait.ge [sflag:s4], $0x0  }
0x19: {  	s7 =	sld [smem:$0x3F9B]  }
0x1a: {  	s8 =	sadd.s32 $0xFFFFE003, lr  }
0x1b: {  	s9 =	sadd.s32 $0xFFFFFEF7, lr;
	s5 =	simm.s32 $0xFFFFFFFF;
	p2 =	slt.u32 s8, $0xFFFFF086  }
0x1c: {  	p1 =	slt.u32 s9, $0xF7A;
	s5 =	simm.s32 @!p2 $0x0  }
0x1d: {  	s5 =	simm.s32 @p1 $0x1;
	p0 =	seq.s32 s7, s2  }
0x1e: {  	s7 =	smul.u32 @!p0 $0xF7A, s2;
	p2 =	seq.s32 @!p0 s5, $0x0  }
0x1f: {  	s9 =	smul.u32 $0xF7A, s1;
	s8 =	simm.s32 @!p0 $0x1BF5;
	p2 =	por !p2, p0  }
0x20: {  	[sflag:s8] =	ssyncset.s32 @!p0 $0xFFFFF086;
	s6 =	sadd.s32 @!p0 s3, s7;
	s7 =	simm.s32 @!p0 $0x108  }
0x21: {  	s3 =	sadd.s32 s3, s9;
	s6 =	sadd.s32 @!p0 $0x88, s6;
	s7 =	simm.s32 @p2 $0x1082  }
0x22: {  	[simem:s7], [sflag:s8] =	dma.local @!p0 [hbm:s6], $0xF7A  }
0x23: {  	s9 =	sor.u32 $0xD0000000, s2;
	s6 =	simm.s32 $0x108;
	_ =	swait.ge @!p0 [sflag:s8], $0x0  }
0x24: {  	s3 =	sadd.s32 $0x88, s3;
	s6 =	simm.s32 @!p1 $0x1082;
	[sflag:s4] =	ssyncset.s32 $0xFFFFF086  }
0x25: {  	[simem:s6], [sflag:s4] =	dma.local [hbm:s3], $0xF7A  }
0x26: {  	[smem:$0x3F9B] =	sst s1;
	(tag) =	ssettag s2;
	_ =	strace s9  }
0x27: {  	s1 =	sld [smem:$0x3FAB]  }
0x28: {  	s2 =	sld [smem:$0x3FAC]  }
0x29: {  	s4 =	sld [smem:$0x3FAE]  }
0x2a: {  	p0 =	seq.s32 s5, $0x0;
	s5 =	sld [smem:$0x3FAF]  }
0x2b: {  	s6 =	sld [smem:$0x3FB0]  }
0x2c: {  	s7 =	sld [smem:$0x3FB1]  }
0x2d: {  	s3 =	simm.s32 $0x108;
	s8 =	sld [smem:$0x3FB2]  }
0x2e: {  	s3 =	simm.s32 @!p0 $0x1082;
	s9 =	sld [smem:$0x3FB3]  }
0x2f: {  	lr =	sadd.s32 s0, s3;
	s0 =	sld [smem:$0x3FAA]  }
0x30: {  	s3 =	sld [smem:$0x3FAD]  }
0x31: {  	[smem:$0x3FB6] =	sst s10  }
0x32: {  	s10 =	sld [smem:$0x3FB4];
	_ =	sdelay $0x3  }
0x33: {  	p0 =	seq.s32 s10, $0x1;
	s10 =	sld [smem:$0x3FB6];
	_ =	sdelay $0x3  }
0x34: {  	[smem:$0x3FB6] =	sst s10  }
0x35: {  	s10 =	sld [smem:$0x3FB5];
	_ =	sdelay $0x3  }
0x36: {  	p1 =	seq.s32 s10, $0x1;
	s10 =	sld [smem:$0x3FB6];
	_ =	sdelay $0x3  }
0x37: {  	[smem:$0x3FB6] =	sst s10  }
0x38: {  	s10 =	sld [smem:$0x3FB7]  }
0x39: {  	_ = 	snop;
	(pc) =	sbr.ind lr, $3  }
0x3a: {  	_ = 	snop  }
0x3b: {  	_ = 	snop  }
0x3c: {  	p2 =	seq.s32 s10, $0x1;
	s10 =	sld [smem:$0x3FB6]  }
0x3d: {  	_ =	shalt  }
0x3e: {  	_ =	shalt  }
0x3f: {  	_ =	shalt  }
0x40: {  	_ =	shalt  }
0x41: {  	_ =	shalt  }
0x42: {  	_ =	shalt  }
0x43: {  	_ =	shalt  }
0x44: {  	_ =	shalt  }
0x45: {  	_ =	shalt  }
0x46: {  	_ =	shalt  }
0x47: {  	_ =	shalt  }
0x48: {  	_ =	shalt  }
0x49: {  	_ =	shalt  }
0x4a: {  	_ =	shalt  }
0x4b: {  	_ =	shalt  }
0x4c: {  	_ =	shalt  }
0x4d: {  	_ =	shalt  }
0x4e: {  	_ =	shalt  }
0x4f: {  	_ =	shalt  }
0x50: {  	_ =	shalt  }
0x51: {  	_ =	shalt  }
0x52: {  	_ =	shalt  }
0x53: {  	_ =	shalt  }
0x54: {  	_ =	shalt  }
0x55: {  	_ =	shalt  }
0x56: {  	_ =	shalt  }
0x57: {  	_ =	shalt  }
0x58: {  	_ =	shalt  }
0x59: {  	_ =	shalt  }
0x5a: {  	_ =	shalt  }
0x5b: {  	_ =	shalt  }
0x5c: {  	_ =	shalt  }
0x5d: {  	_ =	shalt  }
0x5e: {  	_ =	shalt  }
0x5f: {  	_ =	shalt  }
0x60: {  	_ =	shalt  }
0x61: {  	_ =	shalt  }
0x62: {  	_ =	shalt  }
0x63: {  	_ =	shalt  }
0x64: {  	_ =	shalt  }
0x65: {  	_ =	shalt  }
0x66: {  	_ =	shalt  }
0x67: {  	_ =	shalt  }
0x68: {  	_ =	shalt  }
0x69: {  	_ =	shalt  }
0x6a: {  	_ =	shalt  }
0x6b: {  	_ =	shalt  }
0x6c: {  	_ =	shalt  }
0x6d: {  	_ =	shalt  }
0x6e: {  	_ =	shalt  }
0x6f: {  	_ =	shalt  }
0x70: {  	_ =	shalt  }
0x71: {  	_ =	shalt  }
0x72: {  	_ =	shalt  }
0x73: {  	_ =	shalt  }
0x74: {  	_ =	shalt  }
0x75: {  	_ =	shalt  }
0x76: {  	_ =	shalt  }
0x77: {  	_ =	shalt  }
0x78: {  	_ =	shalt  }
0x79: {  	_ =	shalt  }
0x7a: {  	_ =	shalt  }
0x7b: {  	_ =	shalt  }
0x7c: {  	_ =	shalt  }
0x7d: {  	_ =	shalt  }
0x7e: {  	_ =	shalt  }
0x7f: {  	_ =	shalt  }
0x80: {  	_ =	shalt  }
0x81: {  	_ =	shalt  }
0x82: {  	_ =	shalt  }
0x83: {  	_ =	shalt  }
0x84: {  	_ =	shalt  }
0x85: {  	_ =	shalt  }
0x86: {  	_ =	shalt  }
0x87: {  	_ =	shalt  }
.Lfunc_end0:
.L_simem_size_0:
called_computation_lowered:
.L_overlay_start_0:
0x88: {  	s2 =	sld [smem:$0x3FD9]  }
0x89: {  	s3 =	sld [smem:$0x3FFE];
	_ =	sdelay $0x1  }
0x8a: {  	s1 =	srdreg.scid  }
0x8b: {  	s0 =	sand.u32 $0x1, s1  }
0x8c: {  	s17 =	sshll.u32 s0, $0xA;
	s2 =	sadd.s32 s3, s2  }
0x8d: {  	s2 =	sadd.s32 s2, s17  }
0x8e: {  	[smem:$0x3FC2] =	sst s2  }
0x8f: {  	_ = 	snop  }
0x90: {  	s2 =	sld [smem:$0x3FC9]  }
0x91: {  	s18 =	sld [smem:$0x3FC8]  }
0x92: {  	s4 =	sld [smem:$0x3FC6]  }
0x93: {  	s5 =	sld [smem:$0x3FC5]  }
0x94: {  	s6 =	sld [smem:$0x3FC4]  }
0x95: {  	s7 =	sld [smem:$0x3FD0];
	(tm) =	ssettm $0x1  }
0x96: {  	s8 =	sld [smem:$0x3FFB];
	_ =	sdelay $0x3  }
0x97: {  	_ =	strace s8  }
0x98: {  	s8 =	sld [smem:$0x3FFC];
	_ =	sdelay $0x3  }
0x99: {  	_ =	strace s8  }
0x9a: {  	s8 =	sld [smem:$0x3FFD];
	_ =	sdelay $0x3  }
0x9b: {  	_ =	strace s8  }
0x9c: {  	_ =	strace $0x8FFFFFFF  }
0x9d: {  	s19 =	sld [smem:$0x3FDB];
	_ =	sdelay $0x1  }
0x9e: {  	s9 =	simm.s32 $_scs_section_size  }
0x9f: {  	s10 =	simm.s32 $_size__tile_overlayer_lowered;
	s11 =	simm.s32 $_tile_overlayer_lowered  }
0xa0: {  	s22 =	simm.s32 $0x1BFF;
	s21 =	sshll.u32 s11, $0x1;
	s8 =	sadd.s32 s9, s19  }
0xa1: {  	s12 =	simm.s32 $0x0;
	s20 =	sshll.u32 s10, $0x1;
	s10 =	sadd.s32 s21, s8  }
0xa2: {  	[timem:s12], [sflag:s22] =	dma.local [hbm:s10], s20  }
0xa3: {  	_ =	swait.ge [sflag:s22], s20  }
0xa4: {  	s9 =	ssub.s32 $0x0, s20;
	[sflag:s22] =	ssyncset.done $0x0  }
0xa5: {  	[sflag:s22] =	ssyncadd.s32 s9;
	_ =	sdelay $0x1  }
0xa6: {  	s23 =	simm.s32 $0x1B8B  }
0xa7: {  	_ =	swait.ge [sflag:s23], $0x1  }
0xa8: {  	[sflag:s23] =	ssyncset.done $0x0  }
0xa9: {  	s25 =	simm.s32 $0x1B8E;
	s24 =	sld [smem:$0x3FFE];
	[sflag:s23] =	ssyncadd.s32 $0xFFFFFFFF  }
0xaa: {  	s26 =	simm.s32 $execute0_lowered;
	[smem:$0x3FD2] =	sst s25  }
0xab: {  	s10 =	sshll.u32 s26, $0x1;
	_ =	strace $0x80000046;
	[dreg:$0x1] =	wrdreg $0xFFFFFFFF  }
0xac: {  	s28 =	simm.s32 $_size_execute0_lowered;
	s8 =	sadd.s32 s8, s10;
	[dreg:$0x0] =	wrdreg $0x0  }
0xad: {  	s10 =	sshll.u32 s28, $0x1;
	[dreg:$0x2] =	wrdreg s8  }
0xae: {  	[dreg:$0x3] =	wrdreg s10  }
0xaf: {  	[dreg:$0x4] =	wrdreg $0xC0  }
0xb0: {  	_ =	task [dreg:s12], $0x5FFFF  }
0xb1: {  	[dreg:$0x1] =	wrdreg $0xFFFFFFFF  }
0xb2: {  	[dreg:$0x0] =	wrdreg $0x60  }
0xb3: {  	[dreg:$0x2] =	wrdreg s2  }
0xb4: {  	[dreg:$0x3] =	wrdreg s18  }
0xb5: {  	[dreg:$0x4] =	wrdreg s4  }
0xb6: {  	[dreg:$0x5] =	wrdreg s5  }
0xb7: {  	[dreg:$0x6] =	wrdreg s6  }
0xb8: {  	[dreg:$0x7] =	wrdreg s24  }
0xb9: {  	[dreg:$0x8] =	wrdreg s7  }
0xba: {  	[dreg:$0x9] =	wrdreg $0x9  }
0xbb: {  	_ =	task.clear_ibuf [dreg:s12], $0xAFFFF;
	_ =	strace $0x90000046  }
0xbc: {  	s29 =	simm.s32 $0x9;
	_ =	strace $0x80000048  }
0xbd: {  	_ =	swait.ge [sflag:s29], $0x1  }
0xbe: {  	[sflag:s29] =	ssyncadd.s32 $0xFFFFFFFF  }
0xbf: {  	_ =	strace $0x90000048  }
0xc0: {  	_ =	sfence  }
0xc1: {  	s30 =	sld [smem:$0x0];
	_ =	sdelay $0x2  }
0xc2: {  	s31 =	sshll.u32 s1, $0xD;
	s1 =	sshrl.u32 s1, $0x2  }
0xc3: {  	s3 =	sand.u32 $0x4000, s31;
	s1 =	sadd.s32 s1, s30  }
0xc4: {  	s0 =	sor.u32 s3, s0;
	s1 =	sshll.u32 s1, $0x11  }
0xc5: {  	s0 =	sor.u32 s1, s0  }
0xc6: {  	s0 =	sadd.s32 $0x8F2B, s0  }
0xc7: {  	[sflag:s0] =	ssyncadd.remote.s32 $0x1  }
0xc8: {  	_ =	sfence.sel $0xFFFF  }
0xc9: {  	[dreg:$0x0] =	wrdreg $0xFFFFFFFF;
	(pc) =	sbr.abs _section_cstart, $3  }
0xca: {  	[dreg:$0x1] =	wrdreg $0xFFFFFFFF  }
0xcb: {  	_ =	task.clear_ibuf [dreg:s12], $0x2FFFF;
	_ =	strace $0x9FFFFFFF  }
0xcc: {  	(tm) =	ssettm $0x7FFFFFFF  }
0xcd: {  	_ =	shalt  }
tec
execute0_lowered:
.L_overlay_start_1:
0x0: {  	(tag) =	ssettag $0x1  }
0x1: {  	s3 =	rddreg [dreg:$0x0]  }
0x2: {  	s0 =	rddreg [dreg:$0x1]  }
0x3: {  	s6 =	rddreg [dreg:$0x2]  }
0x4: {  	s25 =	rddreg [dreg:$0x3]  }
0x5: {  	s1 =	rddreg [dreg:$0x4]  }
0x6: {  	s4 =	rddreg [dreg:$0x5]  }
0x7: {  	s5 =	rddreg [dreg:$0x6]  }
0x8: {  	s7 =	srdreg.scid;
	s8 =	stileid.u32;
	s2 =	simm.s32 $0x0  }
0x9: {  	s16 =	simm.s32 $0x20;
	s17 =	simm.s32 $0x480;
	[dreg:$0x8] =	wrdreg s0  }
0xa: {  	s18 =	simm.s32 $0x180;
	s19 =	simm.s32 $0x580;
	[smem:$0x7FF] =	sst s2  }
0xb: {  	s31 =	simm.s32 $0x18800;
	_ =	strace $0x80000047;
	[dreg:$0x10] =	wrdreg s16  }
0xc: {  	s20 =	simm.s32 $0x200;
	s21 =	simm.s32 $0x280;
	[dreg:$0x11] =	wrdreg s17  }
0xd: {  	s24 =	simm.s32 $0x80;
	s22 =	simm.s32 $0x680;
	[dreg:$0x12] =	wrdreg s18  }
0xe: {  	s23 =	simm.s32 $0x300;
	s30 =	simm.s32 $0x2;
	[dreg:$0x13] =	wrdreg s19  }
0xf: {  	s29 =	simm.s32 $0x3;
	s28 =	simm.s32 $0x4;
	[dreg:$0x14] =	wrdreg s20  }
0x10: {  	s7 =	sand.u32 $0x1, s7;
	s8 =	sshll.u32 s8, $0x1;
	[dreg:$0x15] =	wrdreg s21  }
0x11: {  	p0 =	por $0x0, $0x0;
	s8 =	sor.u32 s7, s8;
	[dreg:$0x16] =	wrdreg s22  }
0x12: {  	s13 =	ssub.s32 $0x2, s7;
	s18 =	simm.s32 $0x18880;
	[dreg:$0x17] =	wrdreg s23  }
0x13: {  	s7 =	simm.s32 $0x800;
	s22 =	simm.s32 $0x7;
	s23 =	simm.s32 $0x8  }
0x14: {  	s19 =	simm.s32 $0xA;
	s17 =	simm.s32 $0xB;
	s16 =	simm.s32 $0xD  }
0x15: {  	s9 =	sshll.u32 s8, $0x7;
	s10 =	sshll.u32 s8, $0xE;
	s26 =	sshll.u32 s8, $0x2  }
0x16: {  	s12 =	sshll.u32 s8, $0x9;
	s15 =	sshrl.u32 s13, $0x1;
	s8 =	simm.s32 $0x100  }
0x17: {  	s1 =	sadd.s32 s1, s9;
	s4 =	sadd.s32 s10, s4;
	s0 =	sadd.s32 s25, s26  }
0x18: {  	s14 =	sadd.s32 s5, s12;
	s25 =	simm.s32 $0x380;
	[dreg:$0x9] =	wrdreg s1  }
0x19: {  	s26 =	simm.s32 $0x780;
	[dreg:$0xa] =	wrdreg s0;
	s1 =	sadd.s32 $0x1000, s4  }
0x1a: {  	s12 =	simm.s32 $0x600;
	[dreg:$0xb] =	wrdreg s1;
	s1 =	ssub.s32 s13, s15  }
0x1b: {  	s9 =	sadd.s32 $0x2000, s4;
	[dreg:$0xf] =	wrdreg s14;
	s1 =	smax.u32 s1, $0x1  }
0x1c: {  	s10 =	sadd.s32 $0x3000, s4;
	[dreg:$0x18] =	wrdreg s25;
	p1 =	sne.s32 s1, $0x1  }
.Ltmp0:
0x1d: {  	s11 =	sadd.s32 $0x4000, s4;
	[dreg:$0x19] =	wrdreg s26;
	(pc) =	sbr.rel @!p1 .LBB2_5-.Ltmp0, $4  }
0x1e: {  	s4 =	simm.s32 $0x10;
	s14 =	simm.s32 $0x400;
	[dreg:$0xc] =	wrdreg s9  }
0x1f: {  	s0 =	simm.s32 $0x1;
	s26 =	simm.s32 $0x5;
	[dreg:$0xd] =	wrdreg s10  }
0x20: {  	s25 =	simm.s32 $0x6;
	[dreg:$0xe] =	wrdreg s11;
	s10 =	simm.s32 $0x500  }
0x21: {  	s11 =	simm.s32 $0x9;
	s9 =	simm.s32 $0xC;
	s5 =	sadd.s32 $0xFFFFFFFF, s1  }
0x22: {  	s1 =	rddreg [dreg:$0x9]  }
0x23: {  	[tilespmem:s2], [sflag:$0x10] =	stream.linear.gather [hbm4b:s1+s2], $0x400, $0x38;
	[tilespmem:$0x19880] =	vst v63  }
0x24: {  	_ =	swait.ge [sflag:s4], $0x400  }
0x25: {  	[sflag:s4] =	ssyncset.done $0x0  }
0x26: {  	s20 =	rddreg [dreg:$0xa];
	[sflag:s4] =	ssyncadd.s32 $0xFFFFFC00  }
0x27: {  	[tilespmem:s31], [sflag:$0x10] =	stream.linear.gather [hbm4b:s20+s2], $0x20, $0x38;
	[tilespmem:$0x19880] =	vst v63  }
0x28: {  	_ =	swait.ge [sflag:s4], $0x20  }
0x29: {  	s13 =	rddreg [dreg:$0x8]  }
0x2a: {  	s21 =	rddreg [dreg:$0x10];
	[sflag:s4] =	ssyncset.done $0x0  }
0x2b: {  	s15 =	rddreg [dreg:$0x13];
	[sflag:s4] =	ssyncadd.s32 $0xFFFFFFE0  }
0x2c: {  	[tilespmem:s18], [sflag:$0xF] =	stream.indirect.gather [hbm4b:s13+s21], $0x80, s31, s21, $0xb8;
	[tilespmem:$0x19880] =	vst v63  }
0x2d: {  	s20 =	rddreg [dreg:$0x14]  }
0x2e: {  	[tilespmem:s14], [sflag:$0x1] =	stream.indirect.gather [hbm4b:s6+s24], $0x1, s2, s24, $0xb8;
	[tilespmem:$0x19880] =	vst v63  }
0x2f: {  	s13 =	rddreg [dreg:$0x11]  }
0x30: {  	[tilespmem:s13], [sflag:$0x2] =	stream.indirect.gather [hbm4b:s6+s24], $0x1, s24, s24, $0xb8;
	[tilespmem:$0x19880] =	vst v63  }
0x31: {  	s1 =	rddreg [dreg:$0x16]  }
0x32: {  	[tilespmem:s10], [sflag:$0x3] =	stream.indirect.gather [hbm4b:s6+s24], $0x1, s8, s24, $0xb8;
	[tilespmem:$0x19880] =	vst v63  }
0x33: {  	s21 =	rddreg [dreg:$0x12]  }
0x34: {  	[tilespmem:s15], [sflag:$0x4] =	stream.indirect.gather [hbm4b:s6+s24], $0x1, s21, s24, $0xb8;
	[tilespmem:$0x19880] =	vst v63  }
0x35: {  	s15 =	rddreg [dreg:$0x15]  }
0x36: {  	s21 =	rddreg [dreg:$0x19]  }
0x37: {  	[dreg:$0x1b] =	wrdreg s21  }
0x38: {  	[tilespmem:s12], [sflag:$0x5] =	stream.indirect.gather [hbm4b:s6+s24], $0x1, s20, s24, $0xb8;
	[tilespmem:$0x19880] =	vst v63  }
0x39: {  	s20 =	rddreg [dreg:$0x17]  }
0x3a: {  	[dreg:$0x1a] =	wrdreg s20  }
0x3b: {  	[tilespmem:s1], [sflag:$0x6] =	stream.indirect.gather [hbm4b:s6+s24], $0x1, s15, s24, $0xb8;
	[tilespmem:$0x19880] =	vst v63  }
0x3c: {  	s1 =	rddreg [dreg:$0x18]  }
0x3d: {  	s12 =	simm.s32 $0x700;
	s15 =	rddreg [dreg:$0x1a]  }
0x3e: {  	[tilespmem:s12], [sflag:$0x7] =	stream.indirect.gather [hbm4b:s6+s24], $0x1, s15, s24, $0xb8;
	[tilespmem:$0x19880] =	vst v63  }
0x3f: {  	s15 =	rddreg [dreg:$0x1b]  }
0x40: {  	[tilespmem:s15], [sflag:$0x8] =	stream.indirect.gather [hbm4b:s6+s24], $0x1, s1, s24, $0xb8;
	[tilespmem:$0x19880] =	vst v63  }
0x41: {  	_ =	swait.ge [sflag:s0], $0x80  }
0x42: {  	[sflag:s0] =	ssyncset.done $0x0  }
0x43: {  	[sflag:s0] =	ssyncadd.s32 $0xFFFFFF80  }
0x44: {  	_ =	swait.ge [sflag:s30], $0x80  }
0x45: {  	[sflag:s30] =	ssyncset.done $0x0  }
0x46: {  	[sflag:s30] =	ssyncadd.s32 $0xFFFFFF80  }
0x47: {  	[tilespmem:s7], [sflag:$0x9] =	stream.indirect.gather [hbm4b:s3+s8], $0x80, s14, s8, $0xb8;
	[tilespmem:$0x19880] =	vst v63  }
0x48: {  	_ =	swait.ge [sflag:s29], $0x80  }
0x49: {  	[sflag:s29] =	ssyncset.done $0x0  }
0x4a: {  	[sflag:s29] =	ssyncadd.s32 $0xFFFFFF80  }
0x4b: {  	_ =	swait.ge [sflag:s28], $0x80  }
0x4c: {  	[sflag:s28] =	ssyncset.done $0x0  }
0x4d: {  	s21 =	simm.s32 $0x8800;
	[sflag:s28] =	ssyncadd.s32 $0xFFFFFF80  }
0x4e: {  	[tilespmem:s21], [sflag:$0xA] =	stream.indirect.gather [hbm4b:s3+s8], $0x80, s10, s8, $0xb8;
	[tilespmem:$0x19880] =	vst v63  }
0x4f: {  	_ =	swait.ge [sflag:s26], $0x80  }
0x50: {  	[sflag:s26] =	ssyncset.done $0x0  }
0x51: {  	[sflag:s26] =	ssyncadd.s32 $0xFFFFFF80  }
0x52: {  	_ =	swait.ge [sflag:s25], $0x80  }
0x53: {  	[sflag:s25] =	ssyncset.done $0x0  }
0x54: {  	s13 =	simm.s32 $0x600;
	s20 =	simm.s32 $0x10800;
	[sflag:s25] =	ssyncadd.s32 $0xFFFFFF80  }
0x55: {  	[tilespmem:s20], [sflag:$0xB] =	stream.indirect.gather [hbm4b:s3+s8], $0x80, s13, s8, $0xb8;
	[tilespmem:$0x19880] =	vst v63  }
0x56: {  	_ =	swait.ge [sflag:s11], $0x8000  }
0x57: {  	[sflag:s11] =	ssyncset.done $0x0  }
0x58: {  	s10 =	rddreg [dreg:$0xb];
	[sflag:s11] =	ssyncadd.s32 $0xFFFF8000  }
0x59: {  	[hbm4b:s10+s2] =	stream.linear.scatter [tilespmem:s7], [sflag:$0xC], $0x8000, $0x38;
	[tilespmem:$0x19880] =	vst v63  }
0x5a: {  	_ =	swait.ge [sflag:s22], $0x80  }
0x5b: {  	[sflag:s22] =	ssyncset.done $0x0  }
0x5c: {  	[sflag:s22] =	ssyncadd.s32 $0xFFFFFF80  }
0x5d: {  	_ =	swait.ge [sflag:s23], $0x80  }
0x5e: {  	[sflag:s23] =	ssyncset.done $0x0  }
0x5f: {  	[sflag:s23] =	ssyncadd.s32 $0xFFFFFF80  }
0x60: {  	_ =	swait.ge [sflag:s9], $0x8000  }
0x61: {  	[sflag:s9] =	ssyncset.done $0x0  }
0x62: {  	[sflag:s9] =	ssyncadd.s32 $0xFFFF8000  }
0x63: {  	[tilespmem:s7], [sflag:$0x9] =	stream.indirect.gather [hbm4b:s3+s8], $0x80, s12, s8, $0xb8;
	[tilespmem:$0x19880] =	vst v63  }
0x64: {  	_ =	swait.ge [sflag:s19], $0x8000  }
0x65: {  	[sflag:s19] =	ssyncset.done $0x0  }
0x66: {  	s12 =	rddreg [dreg:$0xc];
	[sflag:s19] =	ssyncadd.s32 $0xFFFF8000  }
0x67: {  	[hbm4b:s12+s2] =	stream.linear.scatter [tilespmem:s21], [sflag:$0xD], $0x8000, $0x38;
	[tilespmem:$0x19880] =	vst v63  }
0x68: {  	_ =	swait.ge [sflag:s17], $0x8000  }
0x69: {  	[sflag:s17] =	ssyncset.done $0x0  }
0x6a: {  	s13 =	rddreg [dreg:$0xd];
	[sflag:s17] =	ssyncadd.s32 $0xFFFF8000  }
0x6b: {  	[hbm4b:s13+s2] =	stream.linear.scatter [tilespmem:s20], [sflag:$0xE], $0x8000, $0x38;
	[tilespmem:$0x19880] =	vst v63  }
0x6c: {  	_ =	swait.ge [sflag:s11], $0x8000  }
0x6d: {  	[sflag:s11] =	ssyncset.done $0x0  }
0x6e: {  	s14 =	rddreg [dreg:$0xe];
	[sflag:s11] =	ssyncadd.s32 $0xFFFF8000  }
0x6f: {  	[hbm4b:s14+s2] =	stream.linear.scatter [tilespmem:s7], [sflag:$0xC], $0x8000, $0x38;
	[tilespmem:$0x19880] =	vst v63  }
0x70: {  	_ =	swait.ge [sflag:s16], $0x8000  }
0x71: {  	[sflag:s16] =	ssyncset.done $0x0  }
0x72: {  	s15 =	simm.s32 $0xE;
	[sflag:s16] =	ssyncadd.s32 $0xFFFF8000  }
0x73: {  	_ =	swait.ge [sflag:s15], $0x8000  }
0x74: {  	[sflag:s15] =	ssyncset.done $0x0  }
0x75: {  	[sflag:s15] =	ssyncadd.s32 $0xFFFF8000  }
0x76: {  	_ =	swait.ge [sflag:s9], $0x8000  }
0x77: {  	p1 =	sne.s32 s5, $0x1;
	[sflag:s9] =	ssyncset.done $0x0  }
.Ltmp1:
0x78: {  	s20 =	simm.s32 $0xF;
	[sflag:s9] =	ssyncadd.s32 $0xFFFF8000;
	(pc) =	sbr.rel @!p1 .LBB2_6-.Ltmp1, $4  }
0x79: {  	p0 =	por $0x1, $0x1;
	_ =	swait.ge [sflag:s20], $0x1000  }
0x7a: {  	s1 =	sadd.s32 $0xFFFFFFFF, s5;
	s10 =	simm.s32 $0x500;
	[sflag:s20] =	ssyncset.done $0x0  }
0x7b: {  	s14 =	simm.s32 $0x400;
	s21 =	rddreg [dreg:$0xf];
	[sflag:s20] =	ssyncadd.s32 $0xFFFFF000  }
0x7c: {  	[hbm4b:s21+s2] =	stream.linear.scatter [tilespmem:s18], [sflag:$0x10], $0x1000, $0x38;
	[tilespmem:$0x19880] =	vst v63  }
0x7d: {  	s21 =	simm.s32 $0x8800;
	s20 =	simm.s32 $0x10800  }
.LBB2_3:
0x7e: {  	_ =	swait.ge [sflag:s4], $0x1000  }
0x7f: {  	[sflag:s4] =	ssyncset.done $0x0  }
0x80: {  	s5 =	rddreg [dreg:$0x9];
	[sflag:s4] =	ssyncadd.s32 $0xFFFFF000  }
0x81: {  	[tilespmem:s2], [sflag:$0x10] =	stream.linear.gather [hbm4b:s5+s2], $0x400, $0x38;
	[tilespmem:$0x19880] =	vst v63  }
0x82: {  	_ =	swait.ge [sflag:s4], $0x400  }
0x83: {  	[sflag:s4] =	ssyncset.done $0x0  }
0x84: {  	s12 =	rddreg [dreg:$0xa];
	[sflag:s4] =	ssyncadd.s32 $0xFFFFFC00  }
0x85: {  	[tilespmem:s31], [sflag:$0x10] =	stream.linear.gather [hbm4b:s12+s2], $0x20, $0x38;
	[tilespmem:$0x19880] =	vst v63  }
0x86: {  	_ =	swait.ge [sflag:s4], $0x20  }
0x87: {  	s5 =	rddreg [dreg:$0x8]  }
0x88: {  	[sflag:s4] =	ssyncset.done $0x0;
	s12 =	rddreg [dreg:$0x10]  }
0x89: {  	s16 =	simm.s32 $0x18800;
	s13 =	rddreg [dreg:$0x11];
	[sflag:s4] =	ssyncadd.s32 $0xFFFFFFE0  }
0x8a: {  	[tilespmem:s18], [sflag:$0xF] =	stream.indirect.gather [hbm4b:s5+s12], $0x80, s16, s12, $0xb8;
	[tilespmem:$0x19880] =	vst v63  }
0x8b: {  	s15 =	rddreg [dreg:$0x19]  }
0x8c: {  	[tilespmem:s14], [sflag:$0x1] =	stream.indirect.gather [hbm4b:s6+s24], $0x1, s2, s24, $0xb8;
	[tilespmem:$0x19880] =	vst v63  }
0x8d: {  	s5 =	rddreg [dreg:$0x16]  }
0x8e: {  	[tilespmem:s13], [sflag:$0x2] =	stream.indirect.gather [hbm4b:s6+s24], $0x1, s24, s24, $0xb8;
	[tilespmem:$0x19880] =	vst v63  }
0x8f: {  	s12 =	rddreg [dreg:$0x13]  }
0x90: {  	[tilespmem:s10], [sflag:$0x3] =	stream.indirect.gather [hbm4b:s6+s24], $0x1, s8, s24, $0xb8;
	[tilespmem:$0x19880] =	vst v63  }
0x91: {  	s13 =	rddreg [dreg:$0x12]  }
0x92: {  	[tilespmem:s12], [sflag:$0x4] =	stream.indirect.gather [hbm4b:s6+s24], $0x1, s13, s24, $0xb8;
	[tilespmem:$0x19880] =	vst v63  }
0x93: {  	s31 =	simm.s32 $0x600;
	s18 =	rddreg [dreg:$0x14]  }
0x94: {  	[tilespmem:s31], [sflag:$0x5] =	stream.indirect.gather [hbm4b:s6+s24], $0x1, s18, s24, $0xb8;
	[tilespmem:$0x19880] =	vst v63  }
0x95: {  	s12 =	rddreg [dreg:$0x15]  }
0x96: {  	[tilespmem:s5], [sflag:$0x6] =	stream.indirect.gather [hbm4b:s6+s24], $0x1, s12, s24, $0xb8;
	[tilespmem:$0x19880] =	vst v63  }
0x97: {  	s13 =	rddreg [dreg:$0x17];
	s12 =	simm.s32 $0x700  }
0x98: {  	[tilespmem:s12], [sflag:$0x7] =	stream.indirect.gather [hbm4b:s6+s24], $0x1, s13, s24, $0xb8;
	[tilespmem:$0x19880] =	vst v63  }
0x99: {  	s5 =	rddreg [dreg:$0x18]  }
0x9a: {  	[tilespmem:s15], [sflag:$0x8] =	stream.indirect.gather [hbm4b:s6+s24], $0x1, s5, s24, $0xb8;
	[tilespmem:$0x19880] =	vst v63  }
0x9b: {  	_ =	swait.ge [sflag:s0], $0x80  }
0x9c: {  	[sflag:s0] =	ssyncset.done $0x0  }
0x9d: {  	[sflag:s0] =	ssyncadd.s32 $0xFFFFFF80  }
0x9e: {  	_ =	swait.ge [sflag:s30], $0x80  }
0x9f: {  	[sflag:s30] =	ssyncset.done $0x0  }
0xa0: {  	[sflag:s30] =	ssyncadd.s32 $0xFFFFFF80  }
0xa1: {  	[tilespmem:s7], [sflag:$0x9] =	stream.indirect.gather [hbm4b:s3+s8], $0x80, s14, s8, $0xb8;
	[tilespmem:$0x19880] =	vst v63  }
0xa2: {  	_ =	swait.ge [sflag:s29], $0x80  }
0xa3: {  	[sflag:s29] =	ssyncset.done $0x0  }
0xa4: {  	[sflag:s29] =	ssyncadd.s32 $0xFFFFFF80  }
0xa5: {  	_ =	swait.ge [sflag:s28], $0x80  }
0xa6: {  	[sflag:s28] =	ssyncset.done $0x0  }
0xa7: {  	[sflag:s28] =	ssyncadd.s32 $0xFFFFFF80  }
0xa8: {  	[tilespmem:s21], [sflag:$0xA] =	stream.indirect.gather [hbm4b:s3+s8], $0x80, s10, s8, $0xb8;
	[tilespmem:$0x19880] =	vst v63  }
0xa9: {  	_ =	swait.ge [sflag:s26], $0x80  }
0xaa: {  	[sflag:s26] =	ssyncset.done $0x0  }
0xab: {  	[sflag:s26] =	ssyncadd.s32 $0xFFFFFF80  }
0xac: {  	_ =	swait.ge [sflag:s25], $0x80  }
0xad: {  	[sflag:s25] =	ssyncset.done $0x0  }
0xae: {  	s13 =	simm.s32 $0x600;
	[sflag:s25] =	ssyncadd.s32 $0xFFFFFF80  }
0xaf: {  	[tilespmem:s20], [sflag:$0xB] =	stream.indirect.gather [hbm4b:s3+s8], $0x80, s13, s8, $0xb8;
	[tilespmem:$0x19880] =	vst v63  }
0xb0: {  	_ =	swait.ge [sflag:s11], $0x8000  }
0xb1: {  	[sflag:s11] =	ssyncset.done $0x0  }
0xb2: {  	s5 =	rddreg [dreg:$0xb];
	[sflag:s11] =	ssyncadd.s32 $0xFFFF8000  }
0xb3: {  	[hbm4b:s5+s2] =	stream.linear.scatter [tilespmem:s7], [sflag:$0xC], $0x8000, $0x38;
	[tilespmem:$0x19880] =	vst v63  }
0xb4: {  	_ =	swait.ge [sflag:s22], $0x80  }
0xb5: {  	[sflag:s22] =	ssyncset.done $0x0  }
0xb6: {  	[sflag:s22] =	ssyncadd.s32 $0xFFFFFF80  }
0xb7: {  	_ =	swait.ge [sflag:s23], $0x80  }
0xb8: {  	[sflag:s23] =	ssyncset.done $0x0  }
0xb9: {  	[sflag:s23] =	ssyncadd.s32 $0xFFFFFF80  }
0xba: {  	_ =	swait.ge [sflag:s9], $0x8000  }
0xbb: {  	[sflag:s9] =	ssyncset.done $0x0  }
0xbc: {  	[sflag:s9] =	ssyncadd.s32 $0xFFFF8000  }
0xbd: {  	[tilespmem:s7], [sflag:$0x9] =	stream.indirect.gather [hbm4b:s3+s8], $0x80, s12, s8, $0xb8;
	[tilespmem:$0x19880] =	vst v63  }
0xbe: {  	_ =	swait.ge [sflag:s19], $0x8000  }
0xbf: {  	[sflag:s19] =	ssyncset.done $0x0  }
0xc0: {  	s13 =	simm.s32 $0x8800;
	s5 =	rddreg [dreg:$0xc];
	[sflag:s19] =	ssyncadd.s32 $0xFFFF8000  }
0xc1: {  	[hbm4b:s5+s2] =	stream.linear.scatter [tilespmem:s13], [sflag:$0xD], $0x8000, $0x38;
	[tilespmem:$0x19880] =	vst v63  }
0xc2: {  	_ =	swait.ge [sflag:s17], $0x8000  }
0xc3: {  	[sflag:s17] =	ssyncset.done $0x0  }
0xc4: {  	s12 =	simm.s32 $0x10800;
	s13 =	rddreg [dreg:$0xd];
	[sflag:s17] =	ssyncadd.s32 $0xFFFF8000  }
0xc5: {  	[hbm4b:s13+s2] =	stream.linear.scatter [tilespmem:s12], [sflag:$0xE], $0x8000, $0x38;
	[tilespmem:$0x19880] =	vst v63  }
0xc6: {  	_ =	swait.ge [sflag:s11], $0x8000  }
0xc7: {  	[sflag:s11] =	ssyncset.done $0x0  }
0xc8: {  	s16 =	simm.s32 $0xD;
	s13 =	rddreg [dreg:$0xe];
	[sflag:s11] =	ssyncadd.s32 $0xFFFF8000  }
0xc9: {  	[hbm4b:s13+s2] =	stream.linear.scatter [tilespmem:s7], [sflag:$0xC], $0x8000, $0x38;
	[tilespmem:$0x19880] =	vst v63  }
0xca: {  	_ =	swait.ge [sflag:s16], $0x8000  }
0xcb: {  	[sflag:s16] =	ssyncset.done $0x0  }
0xcc: {  	s15 =	simm.s32 $0xE;
	[sflag:s16] =	ssyncadd.s32 $0xFFFF8000  }
0xcd: {  	_ =	swait.ge [sflag:s15], $0x8000  }
0xce: {  	[sflag:s15] =	ssyncset.done $0x0  }
0xcf: {  	[sflag:s15] =	ssyncadd.s32 $0xFFFF8000  }
0xd0: {  	_ =	swait.ge [sflag:s9], $0x8000  }
0xd1: {  	p1 =	sne.s32 s1, $0x1;
	[sflag:s9] =	ssyncset.done $0x0  }
.Ltmp2:
0xd2: {  	s31 =	simm.s32 $0xF;
	[sflag:s9] =	ssyncadd.s32 $0xFFFF8000;
	(pc) =	sbr.rel @p1 .LBB2_3-.Ltmp2, $4  }
0xd3: {  	_ =	swait.ge [sflag:s31], $0x1000  }
0xd4: {  	s1 =	sadd.s32 $0xFFFFFFFF, s1;
	s18 =	simm.s32 $0x18880;
	[sflag:s31] =	ssyncset.done $0x0  }
0xd5: {  	s15 =	rddreg [dreg:$0xf];
	[sflag:s31] =	ssyncadd.s32 $0xFFFFF000;
	s31 =	simm.s32 $0x18800  }
0xd6: {  	[hbm4b:s15+s2] =	stream.linear.scatter [tilespmem:s18], [sflag:$0x10], $0x1000, $0x38;
	[tilespmem:$0x19880] =	vst v63  }
0xd7: {  	s10 =	simm.s32 $0x500;
	s14 =	simm.s32 $0x400  }
.LBB2_5:
0xd8: {  	_ =	swait.ge @p0 [sflag:s4], $0x1000  }
0xd9: {  	[sflag:s4] =	ssyncset.done @p0 $0x0  }
0xda: {  	s1 =	rddreg [dreg:$0x9];
	[sflag:s4] =	ssyncadd.s32 @p0 $0xFFFFF000  }
0xdb: {  	[tilespmem:s2], [sflag:$0x10] =	stream.linear.gather [hbm4b:s1+s2], $0x400, $0x38;
	[tilespmem:$0x19880] =	vst v63  }
0xdc: {  	_ =	swait.ge [sflag:s4], $0x400  }
0xdd: {  	[sflag:s4] =	ssyncset.done $0x0  }
0xde: {  	s12 =	rddreg [dreg:$0xa];
	[sflag:s4] =	ssyncadd.s32 $0xFFFFFC00  }
0xdf: {  	[tilespmem:s31], [sflag:$0x10] =	stream.linear.gather [hbm4b:s12+s2], $0x20, $0x38;
	[tilespmem:$0x19880] =	vst v63  }
0xe0: {  	_ =	swait.ge [sflag:s4], $0x20  }
0xe1: {  	s13 =	rddreg [dreg:$0x8]  }
0xe2: {  	s5 =	rddreg [dreg:$0x10];
	[sflag:s4] =	ssyncset.done $0x0  }
0xe3: {  	s15 =	rddreg [dreg:$0x11];
	[sflag:s4] =	ssyncadd.s32 $0xFFFFFFE0  }
0xe4: {  	[tilespmem:s18], [sflag:$0xF] =	stream.indirect.gather [hbm4b:s13+s5], $0x80, s31, s5, $0xb8;
	[tilespmem:$0x19880] =	vst v63  }
0xe5: {  	s20 =	rddreg [dreg:$0x13]  }
0xe6: {  	[tilespmem:s14], [sflag:$0x1] =	stream.indirect.gather [hbm4b:s6+s24], $0x1, s2, s24, $0xb8;
	[tilespmem:$0x19880] =	vst v63  }
0xe7: {  	s21 =	rddreg [dreg:$0x12]  }
0xe8: {  	[tilespmem:s15], [sflag:$0x2] =	stream.indirect.gather [hbm4b:s6+s24], $0x1, s24, s24, $0xb8;
	[tilespmem:$0x19880] =	vst v63  }
0xe9: {  	s1 =	rddreg [dreg:$0x14]  }
0xea: {  	[tilespmem:s10], [sflag:$0x3] =	stream.indirect.gather [hbm4b:s6+s24], $0x1, s8, s24, $0xb8;
	[tilespmem:$0x19880] =	vst v63  }
0xeb: {  	s12 =	rddreg [dreg:$0x15]  }
0xec: {  	[tilespmem:s20], [sflag:$0x4] =	stream.indirect.gather [hbm4b:s6+s24], $0x1, s21, s24, $0xb8;
	[tilespmem:$0x19880] =	vst v63  }
0xed: {  	s5 =	rddreg [dreg:$0x16];
	s13 =	simm.s32 $0x600  }
0xee: {  	[tilespmem:s13], [sflag:$0x5] =	stream.indirect.gather [hbm4b:s6+s24], $0x1, s1, s24, $0xb8;
	[tilespmem:$0x19880] =	vst v63  }
0xef: {  	s1 =	rddreg [dreg:$0x17]  }
0xf0: {  	[tilespmem:s5], [sflag:$0x6] =	stream.indirect.gather [hbm4b:s6+s24], $0x1, s12, s24, $0xb8;
	[tilespmem:$0x19880] =	vst v63  }
0xf1: {  	s31 =	simm.s32 $0x700;
	s5 =	rddreg [dreg:$0x19]  }
0xf2: {  	[tilespmem:s31], [sflag:$0x7] =	stream.indirect.gather [hbm4b:s6+s24], $0x1, s1, s24, $0xb8;
	[tilespmem:$0x19880] =	vst v63  }
0xf3: {  	s12 =	rddreg [dreg:$0x18]  }
0xf4: {  	[tilespmem:s5], [sflag:$0x8] =	stream.indirect.gather [hbm4b:s6+s24], $0x1, s12, s24, $0xb8;
	[tilespmem:$0x19880] =	vst v63  }
0xf5: {  	_ =	swait.ge [sflag:s0], $0x80  }
0xf6: {  	[sflag:s0] =	ssyncset.done $0x0  }
0xf7: {  	[sflag:s0] =	ssyncadd.s32 $0xFFFFFF80  }
0xf8: {  	_ =	swait.ge [sflag:s30], $0x80  }
0xf9: {  	[sflag:s30] =	ssyncset.done $0x0  }
0xfa: {  	s14 =	simm.s32 $0x400;
	[sflag:s30] =	ssyncadd.s32 $0xFFFFFF80  }
0xfb: {  	[tilespmem:s7], [sflag:$0x9] =	stream.indirect.gather [hbm4b:s3+s8], $0x80, s14, s8, $0xb8;
	[tilespmem:$0x19880] =	vst v63  }
0xfc: {  	_ =	swait.ge [sflag:s29], $0x80  }
0xfd: {  	[sflag:s29] =	ssyncset.done $0x0  }
0xfe: {  	[sflag:s29] =	ssyncadd.s32 $0xFFFFFF80  }
0xff: {  	_ =	swait.ge [sflag:s28], $0x80  }
0x100: {  	[sflag:s28] =	ssyncset.done $0x0  }
0x101: {  	s15 =	simm.s32 $0x500;
	s21 =	simm.s32 $0x8800;
	[sflag:s28] =	ssyncadd.s32 $0xFFFFFF80  }
0x102: {  	[tilespmem:s21], [sflag:$0xA] =	stream.indirect.gather [hbm4b:s3+s8], $0x80, s15, s8, $0xb8;
	[tilespmem:$0x19880] =	vst v63  }
0x103: {  	_ =	swait.ge [sflag:s26], $0x80  }
0x104: {  	[sflag:s26] =	ssyncset.done $0x0  }
0x105: {  	[sflag:s26] =	ssyncadd.s32 $0xFFFFFF80  }
0x106: {  	_ =	swait.ge [sflag:s25], $0x80  }
0x107: {  	[sflag:s25] =	ssyncset.done $0x0  }
0x108: {  	s24 =	simm.s32 $0x10800;
	[sflag:s25] =	ssyncadd.s32 $0xFFFFFF80  }
0x109: {  	[tilespmem:s24], [sflag:$0xB] =	stream.indirect.gather [hbm4b:s3+s8], $0x80, s13, s8, $0xb8;
	[tilespmem:$0x19880] =	vst v63  }
0x10a: {  	_ =	swait.ge [sflag:s11], $0x8000  }
0x10b: {  	[sflag:s11] =	ssyncset.done $0x0  }
0x10c: {  	s25 =	rddreg [dreg:$0xb];
	[sflag:s11] =	ssyncadd.s32 $0xFFFF8000  }
0x10d: {  	[hbm4b:s25+s2] =	stream.linear.scatter [tilespmem:s7], [sflag:$0xC], $0x8000, $0x38;
	[tilespmem:$0x19880] =	vst v63  }
0x10e: {  	_ =	swait.ge [sflag:s22], $0x80  }
0x10f: {  	[sflag:s22] =	ssyncset.done $0x0  }
0x110: {  	[sflag:s22] =	ssyncadd.s32 $0xFFFFFF80  }
0x111: {  	_ =	swait.ge [sflag:s23], $0x80  }
0x112: {  	[sflag:s23] =	ssyncset.done $0x0  }
0x113: {  	[sflag:s23] =	ssyncadd.s32 $0xFFFFFF80  }
0x114: {  	_ =	swait.ge [sflag:s9], $0x8000  }
0x115: {  	[sflag:s9] =	ssyncset.done $0x0  }
0x116: {  	[sflag:s9] =	ssyncadd.s32 $0xFFFF8000  }
0x117: {  	[tilespmem:s7], [sflag:$0x9] =	stream.indirect.gather [hbm4b:s3+s8], $0x80, s31, s8, $0xb8;
	[tilespmem:$0x19880] =	vst v63  }
0x118: {  	_ =	swait.ge [sflag:s19], $0x8000  }
0x119: {  	[sflag:s19] =	ssyncset.done $0x0  }
0x11a: {  	s26 =	rddreg [dreg:$0xc];
	[sflag:s19] =	ssyncadd.s32 $0xFFFF8000  }
0x11b: {  	[hbm4b:s26+s2] =	stream.linear.scatter [tilespmem:s21], [sflag:$0xD], $0x8000, $0x38;
	[tilespmem:$0x19880] =	vst v63  }
0x11c: {  	_ =	swait.ge [sflag:s17], $0x8000  }
0x11d: {  	[sflag:s17] =	ssyncset.done $0x0  }
0x11e: {  	s28 =	rddreg [dreg:$0xd];
	[sflag:s17] =	ssyncadd.s32 $0xFFFF8000  }
0x11f: {  	[hbm4b:s28+s2] =	stream.linear.scatter [tilespmem:s24], [sflag:$0xE], $0x8000, $0x38;
	[tilespmem:$0x19880] =	vst v63  }
0x120: {  	_ =	swait.ge [sflag:s11], $0x8000  }
0x121: {  	[sflag:s11] =	ssyncset.done $0x0  }
0x122: {  	s29 =	rddreg [dreg:$0xe];
	[sflag:s11] =	ssyncadd.s32 $0xFFFF8000  }
0x123: {  	[hbm4b:s29+s2] =	stream.linear.scatter [tilespmem:s7], [sflag:$0xC], $0x8000, $0x38;
	[tilespmem:$0x19880] =	vst v63  }
0x124: {  	_ =	swait.ge [sflag:s16], $0x8000  }
0x125: {  	[sflag:s16] =	ssyncset.done $0x0  }
0x126: {  	s10 =	simm.s32 $0xE;
	[sflag:s16] =	ssyncadd.s32 $0xFFFF8000  }
0x127: {  	_ =	swait.ge [sflag:s10], $0x8000  }
0x128: {  	[sflag:s10] =	ssyncset.done $0x0  }
0x129: {  	[sflag:s10] =	ssyncadd.s32 $0xFFFF8000  }
0x12a: {  	_ =	swait.ge [sflag:s9], $0x8000  }
0x12b: {  	[sflag:s9] =	ssyncset.done $0x0  }
0x12c: {  	s20 =	simm.s32 $0xF;
	[sflag:s9] =	ssyncadd.s32 $0xFFFF8000  }
0x12d: {  	_ =	swait.ge [sflag:s20], $0x1000  }
0x12e: {  	[sflag:s20] =	ssyncset.done $0x0  }
0x12f: {  	s30 =	rddreg [dreg:$0xf];
	[sflag:s20] =	ssyncadd.s32 $0xFFFFF000  }
0x130: {  	[hbm4b:s30+s2] =	stream.linear.scatter [tilespmem:s18], [sflag:$0x10], $0x1000, $0x38;
	[tilespmem:$0x19880] =	vst v63  }
0x131: {  	_ =	swait.ge [sflag:s4], $0x1000  }
0x132: {  	[sflag:s4] =	ssyncset.done $0x0  }
0x133: {  	[sflag:s4] =	ssyncadd.s32 $0xFFFFF000  }
0x134: {  	_ =	sfence.sel $0x180000  }
0x135: {  	[bflag:$0x0] =	sbarrier.arrive $0xFFFF  }
0x136: {  	_ =	strace $0x90000047  }
0x137: {  	s31 =	stileid.u32;
	[bflag:$0x2] =	sbarrier.arrive $0xFFFF  }
0x138: {  	p0 =	sne.s32 s31, $0x0;
	s0 =	rddreg [dreg:$0x7]  }
0x139: {  	s0 =	sadd.s32 @!p0 $0x100000, s0  }
0x13a: {  	[sflag:s0] =	ssyncadd.tile.s32 @!p0 $0x1;
	_ =	shalt  }
.LBB2_6:
.Ltmp3:
0x13b: {  	(pc) =	sbr.rel .LBB2_5-.Ltmp3, $2  }
0x13c: {  	_ =	sdelay $0x2  }
0x13d: {  	s10 =	simm.s32 $0x500;
	s14 =	simm.s32 $0x400  }
.Lfunc_end2:
_tile_overlayer_lowered:
.L_overlay_start_2:
0x13e: {  	(tag) =	ssettag $0x2  }
0x13f: {  	s0 =	rddreg [dreg:$0x0];
	s2 =	stileid.u32  }
0x140: {  	s1 =	rddreg [dreg:$0x1];
	p0 =	sne.s32 s2, $0x0  }
0x141: {  	s3 =	rddreg [dreg:$0x2];
	[bflag:$0x3] =	sbarrier.arrive $0xFFFF;
	s2 =	simm.s32 @!p0 $0x1C10  }
0x142: {  	[timem:s3], [sflag:s2] =	dma.local @!p0 [hbm:s0], s1  }
0x143: {  	s0 =	simm.s32 @!p0 $0x10  }
0x144: {  	_ =	swait.ge @!p0 [sflag:s0], s1  }
0x145: {  	s1 =	ssub.s32 @!p0 $0x0, s1;
	[sflag:s0] =	ssyncset.done @!p0 $0x0  }
0x146: {  	[sflag:s0] =	ssyncadd.s32 @!p0 s1  }
0x147: {  	[bflag:$0x3] =	sbarrier.arrive $0xFFFF  }
0x148: {  	_ =	shalt  }

</sc_bundles>
